<compile_context>
chip_gen: v7x
topology: tpu7x:2x2x1
jax: 0.10.2.dev20260603
libtpu: 0.0.44.dev20260713+nightly
codegen_flags: <defaults>
</compile_context>

<pallas_src>
import functools

import jax
import jax.numpy as jnp
from jax import lax
from jax.experimental import pallas as pl
from jax.experimental.pallas import tpu as pltpu
from jax.experimental.pallas import tpu_sc as plsc

NC = 2
NS = 16
NW = NC * NS
LANES = 16
NBUF = 4


def _seq_embed_call(batch, seq_len, depth):
    bpw = batch // NW
    nvr = depth // LANES
    mesh = plsc.VectorSubcoreMesh(core_axis_name="c", subcore_axis_name="s")

    @functools.partial(
        pl.kernel,
        mesh=mesh,
        out_type=jax.ShapeDtypeStruct((batch, seq_len, depth), jnp.float32),
        scratch_types=[
            pltpu.VMEM((seq_len, bpw), jnp.int32),
            pltpu.VMEM((seq_len, depth), jnp.float32),
        ]
        + [pltpu.VMEM((bpw, depth), jnp.float32) for _ in range(NBUF)]
        + [pltpu.SemaphoreType.DMA for _ in range(2 * NBUF)],
    )
    def run(seq_hbm, tok_hbm, pos_hbm, out_hbm, idx_v, pos_v, *rest):
        bufs = rest[:NBUF]
        gsems = rest[NBUF:2 * NBUF]
        wsems = rest[2 * NBUF:]
        wid = lax.axis_index("s") * NC + lax.axis_index("c")
        b0 = wid * bpw
        pltpu.sync_copy(seq_hbm.at[wid], idx_v)
        pltpu.sync_copy(pos_hbm, pos_v)

        def gather(l, b):
            return pltpu.make_async_copy(
                tok_hbm.at[idx_v.at[l, :]], bufs[b], gsems[b])

        def write(l, b):
            return pltpu.make_async_copy(
                bufs[b], out_hbm.at[pl.ds(b0, bpw), l, :], wsems[b])

        def prefill(l, b):
            prow = [pos_v[l, pl.ds(k * LANES, LANES)] for k in range(nvr)]

            def row_body(r, c):
                for k in range(nvr):
                    bufs[b][r, pl.ds(k * LANES, LANES)] = prow[k]
                return c

            lax.fori_loop(0, bpw, row_body, 0)

        def step(l, b, wait_free):
            if wait_free:
                write(l - NBUF, b).wait()
            prefill(l, b)
            gather(l, b).start(add=True)
            gather(l - 2, (b - 2) % NBUF).wait()
            write(l - 2, (b - 2) % NBUF).start()

        for l in range(2):
            prefill(l, l)
            gather(l, l).start(add=True)
        for l in range(2, NBUF):
            step(l, l, wait_free=False)

        def group_body(i, c):
            for db in range(NBUF):
                step(NBUF * i + db, db, wait_free=True)
            return c

        lax.fori_loop(1, seq_len // NBUF, group_body, 0)

        for l in range(seq_len - 2, seq_len):
            gather(l, l % NBUF).wait()
            write(l, l % NBUF).start()
        for l in range(seq_len - NBUF, seq_len):
            write(l, l % NBUF).wait()

    return run


def kernel(seq, token_table, pos_table):
    batch, seq_len = seq.shape
    vocab, depth = token_table.shape
    bpw = batch // NW
    assert batch % NW == 0 and depth % LANES == 0 and seq_len % NBUF == 0

    seq_perm = jnp.transpose(
        seq.reshape(NW, bpw, seq_len).astype(jnp.int32), (0, 2, 1))

    return _seq_embed_call(batch, seq_len, depth)(
        seq_perm, token_table, pos_table)

# --- scband reference (transcript-rebuilt; emitter-appended) ---
"""Pipeline reference for scband-seq-embedding-21363167331019 (READ-ONLY COPY).

The authoritative reference and input builder live on the scoring server;
editing this copy changes nothing except your own understanding.
"""

import jax, jax.numpy as jnp
import numpy as np

VOCAB_SIZE = 100000
DEPTH = 128
MAX_LENGTH = 200
BATCH = 4096
SEQ_LEN = 200


def setup_inputs(seed: int = 0) -> dict:
    key = jax.random.key(seed)
    k_seq, k_tok, k_pos = jax.random.split(key, 3)
    seq = jax.random.randint(k_seq, (BATCH, SEQ_LEN), 0, VOCAB_SIZE, dtype=jnp.int64 if jax.config.jax_enable_x64 else jnp.int32)
    token_table = jax.random.normal(k_tok, (VOCAB_SIZE, DEPTH), dtype=jnp.float32) * 0.05
    pos_table = jax.random.normal(k_pos, (MAX_LENGTH, DEPTH), dtype=jnp.float32) * 0.05
    return {"seq": seq, "token_table": token_table, "pos_table": pos_table}


def reference(seq, token_table, pos_table):
    # token embedding lookup: (B, L) -> (B, L, D)
    tok = jnp.take(token_table, seq, axis=0)
    # positional embedding: indices 0..L-1 -> (1, L, D)
    L = seq.shape[1]
    pos_idx = jnp.arange(L)
    pos = jnp.take(pos_table, pos_idx, axis=0)[jnp.newaxis, :, :]
    # Add (broadcast over batch)
    return tok + pos

if __name__ == "__main__":
    import jax
    _d = setup_inputs()
    print(jax.jit(kernel)(*tuple(_d.values())))

</pallas_src>

<mosaic_0001>
#map = affine_map<(d0, d1) -> (0, 0, 0)>
#map1 = affine_map<(d0, d1) -> (0, 0)>
module attributes {stable_mosaic.version = 14 : i64} {
  func.func @run(%arg0: i32, %arg1: i32, %arg2: memref<32x200x128xi32, #tpu.memory_space<hbm>>, %arg3: memref<100000x128xf32, #tpu.memory_space<hbm>>, %arg4: memref<200x128xf32, #tpu.memory_space<hbm>>, %arg5: memref<4096x200x128xf32, #tpu.memory_space<hbm>>, %arg6: memref<200x128xi32, #tpu.memory_space<vmem>>, %arg7: memref<200x128xf32, #tpu.memory_space<vmem>>, %arg8: memref<128x128xf32, #tpu.memory_space<vmem>>, %arg9: memref<128x128xf32, #tpu.memory_space<vmem>>, %arg10: memref<128x128xf32, #tpu.memory_space<vmem>>, %arg11: memref<128x128xf32, #tpu.memory_space<vmem>>, %arg12: memref<!tpu.dma_semaphore, #tpu.memory_space<semaphore_mem>>, %arg13: memref<!tpu.dma_semaphore, #tpu.memory_space<semaphore_mem>>, %arg14: memref<!tpu.dma_semaphore, #tpu.memory_space<semaphore_mem>>, %arg15: memref<!tpu.dma_semaphore, #tpu.memory_space<semaphore_mem>>, %arg16: memref<!tpu.dma_semaphore, #tpu.memory_space<semaphore_mem>>, %arg17: memref<!tpu.dma_semaphore, #tpu.memory_space<semaphore_mem>>, %arg18: memref<!tpu.dma_semaphore, #tpu.memory_space<semaphore_mem>>, %arg19: memref<!tpu.dma_semaphore, #tpu.memory_space<semaphore_mem>>) attributes {dimension_semantics = [#tpu.dimension_semantics<core_parallel>, #tpu.dimension_semantics<subcore_parallel>], iteration_bounds = array<i64: 2, 16>, scalar_prefetch = 0 : i64, scratch_operands = 14 : i64, tpu.core_type = #tpu.core_type<sc_vector_subcore>, window_params = [{transform_indices = #map}, {transform_indices = #map1}, {transform_indices = #map1}, {transform_indices = #map}]} {
    %mul3A = arith.constant 2 : i32
    %mul3A_0 = arith.muli %arg1, %mul3A : i32
    %add3A = arith.addi %mul3A_0, %arg0 : i32
    %mul3A_1 = arith.constant 128 : i32
    %mul3A_2 = arith.muli %add3A, %mul3A_1 : i32
    "tpu.region"() ({
      %run_scoped3A = tpu.sem_alloc : memref<!tpu.dma_semaphore, #tpu.memory_space<semaphore_mem>>
      %dma_start3A_301 = arith.constant 0 : i32
      %dma_start3A_302 = arith.constant 0 : i32
      %dma_start3A_303 = tpu.memref_slice %arg2[%add3A, %dma_start3A_301, %dma_start3A_302] : memref<32x200x128xi32, #tpu.memory_space<hbm>> -> memref<1x200x128xi32, #tpu.memory_space<hbm>>
      %dma_start3A_304 = tpu.memref_squeeze %dma_start3A_303 : memref<1x200x128xi32, #tpu.memory_space<hbm>> -> memref<200x128xi32, #tpu.memory_space<hbm>>
      %dma_start3A_305 = arith.constant 0 : i32
      %dma_start3A_306 = arith.constant 0 : i32
      %dma_start3A_307 = tpu.memref_slice %arg2[%add3A, %dma_start3A_305, %dma_start3A_306] : memref<32x200x128xi32, #tpu.memory_space<hbm>> -> memref<1x200x128xi32, #tpu.memory_space<hbm>>
      %dma_start3A_308 = tpu.memref_squeeze %dma_start3A_307 : memref<1x200x128xi32, #tpu.memory_space<hbm>> -> memref<200x128xi32, #tpu.memory_space<hbm>>
      tpu.enqueue_dma source(%dma_start3A_308 : memref<200x128xi32, #tpu.memory_space<hbm>>) target(%arg6 : memref<200x128xi32, #tpu.memory_space<vmem>>) target_semaphore(%run_scoped3A : memref<!tpu.dma_semaphore, #tpu.memory_space<semaphore_mem>>)
      %dma_wait3A_309 = arith.constant 0 : i32
      %dma_wait3A_310 = arith.constant 0 : i32
      %dma_wait3A_311 = tpu.memref_slice %arg2[%add3A, %dma_wait3A_309, %dma_wait3A_310] : memref<32x200x128xi32, #tpu.memory_space<hbm>> -> memref<1x200x128xi32, #tpu.memory_space<hbm>>
      %dma_wait3A_312 = tpu.memref_squeeze %dma_wait3A_311 : memref<1x200x128xi32, #tpu.memory_space<hbm>> -> memref<200x128xi32, #tpu.memory_space<hbm>>
      %dma_wait3A_313 = arith.constant 0 : i32
      %dma_wait3A_314 = arith.constant 0 : i32
      %dma_wait3A_315 = tpu.memref_slice %arg2[%add3A, %dma_wait3A_313, %dma_wait3A_314] : memref<32x200x128xi32, #tpu.memory_space<hbm>> -> memref<1x200x128xi32, #tpu.memory_space<hbm>>
      %dma_wait3A_316 = tpu.memref_squeeze %dma_wait3A_315 : memref<1x200x128xi32, #tpu.memory_space<hbm>> -> memref<200x128xi32, #tpu.memory_space<hbm>>
      tpu.wait_dma2 semaphore(%run_scoped3A : memref<!tpu.dma_semaphore, #tpu.memory_space<semaphore_mem>>) src(%dma_wait3A_316 : memref<200x128xi32, #tpu.memory_space<hbm>>) dst(%arg6 : memref<200x128xi32, #tpu.memory_space<vmem>>)
      tpu.yield
    }) : () -> ()
    "tpu.region"() ({
      %run_scoped3A = tpu.sem_alloc : memref<!tpu.dma_semaphore, #tpu.memory_space<semaphore_mem>>
      tpu.enqueue_dma source(%arg4 : memref<200x128xf32, #tpu.memory_space<hbm>>) target(%arg7 : memref<200x128xf32, #tpu.memory_space<vmem>>) target_semaphore(%run_scoped3A : memref<!tpu.dma_semaphore, #tpu.memory_space<semaphore_mem>>)
      tpu.wait_dma2 semaphore(%run_scoped3A : memref<!tpu.dma_semaphore, #tpu.memory_space<semaphore_mem>>) src(%arg4 : memref<200x128xf32, #tpu.memory_space<hbm>>) dst(%arg7 : memref<200x128xf32, #tpu.memory_space<vmem>>)
      tpu.yield
    }) : () -> ()
    %get3A = arith.constant 0 : i32
    %get3A_3 = arith.index_cast %get3A : i32 to index
    %get3A_4 = arith.constant 0 : index
    %get3A_5 = tpu.vector_load %arg7[%get3A_3, %get3A_4] {strides = array<i32>} : memref<200x128xf32, #tpu.memory_space<vmem>>, vector<1x16xf32>,
    %get3A_6 = vector.shape_cast %get3A_5 : vector<1x16xf32> to vector<16xf32>
    %get3A_7 = arith.constant 0 : i32
    %get3A_8 = arith.index_cast %get3A_7 : i32 to index
    %get3A_9 = arith.constant 16 : index
    %get3A_10 = tpu.vector_load %arg7[%get3A_8, %get3A_9] {strides = array<i32>} : memref<200x128xf32, #tpu.memory_space<vmem>>, vector<1x16xf32>,
    %get3A_11 = vector.shape_cast %get3A_10 : vector<1x16xf32> to vector<16xf32>
    %get3A_12 = arith.constant 0 : i32
    %get3A_13 = arith.index_cast %get3A_12 : i32 to index
    %get3A_14 = arith.constant 32 : index
    %get3A_15 = tpu.vector_load %arg7[%get3A_13, %get3A_14] {strides = array<i32>} : memref<200x128xf32, #tpu.memory_space<vmem>>, vector<1x16xf32>,
    %get3A_16 = vector.shape_cast %get3A_15 : vector<1x16xf32> to vector<16xf32>
    %get3A_17 = arith.constant 0 : i32
    %get3A_18 = arith.index_cast %get3A_17 : i32 to index
    %get3A_19 = arith.constant 48 : index
    %get3A_20 = tpu.vector_load %arg7[%get3A_18, %get3A_19] {strides = array<i32>} : memref<200x128xf32, #tpu.memory_space<vmem>>, vector<1x16xf32>,
    %get3A_21 = vector.shape_cast %get3A_20 : vector<1x16xf32> to vector<16xf32>
    %get3A_22 = arith.constant 0 : i32
    %get3A_23 = arith.index_cast %get3A_22 : i32 to index
    %get3A_24 = arith.constant 64 : index
    %get3A_25 = tpu.vector_load %arg7[%get3A_23, %get3A_24] {strides = array<i32>} : memref<200x128xf32, #tpu.memory_space<vmem>>, vector<1x16xf32>,
    %get3A_26 = vector.shape_cast %get3A_25 : vector<1x16xf32> to vector<16xf32>
    %get3A_27 = arith.constant 0 : i32
    %get3A_28 = arith.index_cast %get3A_27 : i32 to index
    %get3A_29 = arith.constant 80 : index
    %get3A_30 = tpu.vector_load %arg7[%get3A_28, %get3A_29] {strides = array<i32>} : memref<200x128xf32, #tpu.memory_space<vmem>>, vector<1x16xf32>,
    %get3A_31 = vector.shape_cast %get3A_30 : vector<1x16xf32> to vector<16xf32>
    %get3A_32 = arith.constant 0 : i32
    %get3A_33 = arith.index_cast %get3A_32 : i32 to index
    %get3A_34 = arith.constant 96 : index
    %get3A_35 = tpu.vector_load %arg7[%get3A_33, %get3A_34] {strides = array<i32>} : memref<200x128xf32, #tpu.memory_space<vmem>>, vector<1x16xf32>,
    %get3A_36 = vector.shape_cast %get3A_35 : vector<1x16xf32> to vector<16xf32>
    %get3A_37 = arith.constant 0 : i32
    %get3A_38 = arith.index_cast %get3A_37 : i32 to index
    %get3A_39 = arith.constant 112 : index
    %get3A_40 = tpu.vector_load %arg7[%get3A_38, %get3A_39] {strides = array<i32>} : memref<200x128xf32, #tpu.memory_space<vmem>>, vector<1x16xf32>,
    %get3A_41 = vector.shape_cast %get3A_40 : vector<1x16xf32> to vector<16xf32>
    %scan3A = arith.constant 0 : i32
    %scan3A_42 = arith.constant 0 : i32
    %scan3A_43 = arith.constant 128 : i32
    %scan3A_44 = arith.addi %scan3A_42, %scan3A_43 : i32
    %scan3A_45 = arith.constant 1 : i32
    scf.for %scan3A_301 = %scan3A_42 to %scan3A_44 step %scan3A_45  : i32 {
      %swap3A = arith.index_cast %scan3A_301 : i32 to index
      %swap3A_302 = arith.constant 0 : index
      %swap3A_303 = tpu.vector_load %arg8[%swap3A, %swap3A_302] {strides = array<i32>} : memref<128x128xf32, #tpu.memory_space<vmem>>, vector<1x16xf32>,
      %swap3A_304 = vector.shape_cast %swap3A_303 : vector<1x16xf32> to vector<16xf32>
      %swap3A_305 = vector.shape_cast %get3A_6 : vector<16xf32> to vector<1x16xf32>
      tpu.vector_store %arg8[%swap3A, %swap3A_302], %swap3A_305 {strides = array<i32>} : memref<128x128xf32, #tpu.memory_space<vmem>>, vector<1x16xf32>,
      %swap3A_306 = arith.index_cast %scan3A_301 : i32 to index
      %swap3A_307 = arith.constant 16 : index
      %swap3A_308 = tpu.vector_load %arg8[%swap3A_306, %swap3A_307] {strides = array<i32>} : memref<128x128xf32, #tpu.memory_space<vmem>>, vector<1x16xf32>,
      %swap3A_309 = vector.shape_cast %swap3A_308 : vector<1x16xf32> to vector<16xf32>
      %swap3A_310 = vector.shape_cast %get3A_11 : vector<16xf32> to vector<1x16xf32>
      tpu.vector_store %arg8[%swap3A_306, %swap3A_307], %swap3A_310 {strides = array<i32>} : memref<128x128xf32, #tpu.memory_space<vmem>>, vector<1x16xf32>,
      %swap3A_311 = arith.index_cast %scan3A_301 : i32 to index
      %swap3A_312 = arith.constant 32 : index
      %swap3A_313 = tpu.vector_load %arg8[%swap3A_311, %swap3A_312] {strides = array<i32>} : memref<128x128xf32, #tpu.memory_space<vmem>>, vector<1x16xf32>,
      %swap3A_314 = vector.shape_cast %swap3A_313 : vector<1x16xf32> to vector<16xf32>
      %swap3A_315 = vector.shape_cast %get3A_16 : vector<16xf32> to vector<1x16xf32>
      tpu.vector_store %arg8[%swap3A_311, %swap3A_312], %swap3A_315 {strides = array<i32>} : memref<128x128xf32, #tpu.memory_space<vmem>>, vector<1x16xf32>,
      %swap3A_316 = arith.index_cast %scan3A_301 : i32 to index
      %swap3A_317 = arith.constant 48 : index
      %swap3A_318 = tpu.vector_load %arg8[%swap3A_316, %swap3A_317] {strides = array<i32>} : memref<128x128xf32, #tpu.memory_space<vmem>>, vector<1x16xf32>,
      %swap3A_319 = vector.shape_cast %swap3A_318 : vector<1x16xf32> to vector<16xf32>
      %swap3A_320 = vector.shape_cast %get3A_21 : vector<16xf32> to vector<1x16xf32>
      tpu.vector_store %arg8[%swap3A_316, %swap3A_317], %swap3A_320 {strides = array<i32>} : memref<128x128xf32, #tpu.memory_space<vmem>>, vector<1x16xf32>,
      %swap3A_321 = arith.index_cast %scan3A_301 : i32 to index
      %swap3A_322 = arith.constant 64 : index
      %swap3A_323 = tpu.vector_load %arg8[%swap3A_321, %swap3A_322] {strides = array<i32>} : memref<128x128xf32, #tpu.memory_space<vmem>>, vector<1x16xf32>,
      %swap3A_324 = vector.shape_cast %swap3A_323 : vector<1x16xf32> to vector<16xf32>
      %swap3A_325 = vector.shape_cast %get3A_26 : vector<16xf32> to vector<1x16xf32>
      tpu.vector_store %arg8[%swap3A_321, %swap3A_322], %swap3A_325 {strides = array<i32>} : memref<128x128xf32, #tpu.memory_space<vmem>>, vector<1x16xf32>,
      %swap3A_326 = arith.index_cast %scan3A_301 : i32 to index
      %swap3A_327 = arith.constant 80 : index
      %swap3A_328 = tpu.vector_load %arg8[%swap3A_326, %swap3A_327] {strides = array<i32>} : memref<128x128xf32, #tpu.memory_space<vmem>>, vector<1x16xf32>,
      %swap3A_329 = vector.shape_cast %swap3A_328 : vector<1x16xf32> to vector<16xf32>
      %swap3A_330 = vector.shape_cast %get3A_31 : vector<16xf32> to vector<1x16xf32>
      tpu.vector_store %arg8[%swap3A_326, %swap3A_327], %swap3A_330 {strides = array<i32>} : memref<128x128xf32, #tpu.memory_space<vmem>>, vector<1x16xf32>,
      %swap3A_331 = arith.index_cast %scan3A_301 : i32 to index
      %swap3A_332 = arith.constant 96 : index
      %swap3A_333 = tpu.vector_load %arg8[%swap3A_331, %swap3A_332] {strides = array<i32>} : memref<128x128xf32, #tpu.memory_space<vmem>>, vector<1x16xf32>,
      %swap3A_334 = vector.shape_cast %swap3A_333 : vector<1x16xf32> to vector<16xf32>
      %swap3A_335 = vector.shape_cast %get3A_36 : vector<16xf32> to vector<1x16xf32>
      tpu.vector_store %arg8[%swap3A_331, %swap3A_332], %swap3A_335 {strides = array<i32>} : memref<128x128xf32, #tpu.memory_space<vmem>>, vector<1x16xf32>,
      %swap3A_336 = arith.index_cast %scan3A_301 : i32 to index
      %swap3A_337 = arith.constant 112 : index
      %swap3A_338 = tpu.vector_load %arg8[%swap3A_336, %swap3A_337] {strides = array<i32>} : memref<128x128xf32, #tpu.memory_space<vmem>>, vector<1x16xf32>,
      %swap3A_339 = vector.shape_cast %swap3A_338 : vector<1x16xf32> to vector<16xf32>
      %swap3A_340 = vector.shape_cast %get3A_41 : vector<16xf32> to vector<1x16xf32>
      tpu.vector_store %arg8[%swap3A_336, %swap3A_337], %swap3A_340 {strides = array<i32>} : memref<128x128xf32, #tpu.memory_space<vmem>>, vector<1x16xf32>,
    }
    %scan3A_46 = arith.constant 128 : i32
    %dma_start3A = arith.constant 0 : i32
    %dma_start3A_47 = arith.constant 0 : i32
    %dma_start3A_48 = tpu.memref_slice %arg6[%dma_start3A, %dma_start3A_47] : memref<200x128xi32, #tpu.memory_space<vmem>> -> memref<1x128xi32, #tpu.memory_space<vmem>>
    %dma_start3A_49 = tpu.memref_squeeze %dma_start3A_48 : memref<1x128xi32, #tpu.memory_space<vmem>> -> memref<128xi32, #tpu.memory_space<vmem>>
    %dma_start3A_50 = arith.constant 0 : i32
    %dma_start3A_51 = arith.constant 0 : i32
    %dma_start3A_52 = tpu.memref_slice %arg3[%dma_start3A_50, %dma_start3A_51] : memref<100000x128xf32, #tpu.memory_space<hbm>> -> memref<100000x128xf32, #tpu.memory_space<hbm>>
    tpu.enqueue_indirect_dma source(%dma_start3A_52 : memref<100000x128xf32, #tpu.memory_space<hbm>>) target(%arg8 : memref<128x128xf32, #tpu.memory_space<vmem>>) offsets(%dma_start3A_49 : memref<128xi32, #tpu.memory_space<vmem>>) semaphore(%arg12 : memref<!tpu.dma_semaphore, #tpu.memory_space<semaphore_mem>>) {add = true}
    %get3A_53 = arith.constant 1 : i32
    %get3A_54 = arith.index_cast %get3A_53 : i32 to index
    %get3A_55 = arith.constant 0 : index
    %get3A_56 = tpu.vector_load %arg7[%get3A_54, %get3A_55] {strides = array<i32>} : memref<200x128xf32, #tpu.memory_space<vmem>>, vector<1x16xf32>,
    %get3A_57 = vector.shape_cast %get3A_56 : vector<1x16xf32> to vector<16xf32>
    %get3A_58 = arith.constant 1 : i32
    %get3A_59 = arith.index_cast %get3A_58 : i32 to index
    %get3A_60 = arith.constant 16 : index
    %get3A_61 = tpu.vector_load %arg7[%get3A_59, %get3A_60] {strides = array<i32>} : memref<200x128xf32, #tpu.memory_space<vmem>>, vector<1x16xf32>,
    %get3A_62 = vector.shape_cast %get3A_61 : vector<1x16xf32> to vector<16xf32>
    %get3A_63 = arith.constant 1 : i32
    %get3A_64 = arith.index_cast %get3A_63 : i32 to index
    %get3A_65 = arith.constant 32 : index
    %get3A_66 = tpu.vector_load %arg7[%get3A_64, %get3A_65] {strides = array<i32>} : memref<200x128xf32, #tpu.memory_space<vmem>>, vector<1x16xf32>,
    %get3A_67 = vector.shape_cast %get3A_66 : vector<1x16xf32> to vector<16xf32>
    %get3A_68 = arith.constant 1 : i32
    %get3A_69 = arith.index_cast %get3A_68 : i32 to index
    %get3A_70 = arith.constant 48 : index
    %get3A_71 = tpu.vector_load %arg7[%get3A_69, %get3A_70] {strides = array<i32>} : memref<200x128xf32, #tpu.memory_space<vmem>>, vector<1x16xf32>,
    %get3A_72 = vector.shape_cast %get3A_71 : vector<1x16xf32> to vector<16xf32>
    %get3A_73 = arith.constant 1 : i32
    %get3A_74 = arith.index_cast %get3A_73 : i32 to index
    %get3A_75 = arith.constant 64 : index
    %get3A_76 = tpu.vector_load %arg7[%get3A_74, %get3A_75] {strides = array<i32>} : memref<200x128xf32, #tpu.memory_space<vmem>>, vector<1x16xf32>,
    %get3A_77 = vector.shape_cast %get3A_76 : vector<1x16xf32> to vector<16xf32>
    %get3A_78 = arith.constant 1 : i32
    %get3A_79 = arith.index_cast %get3A_78 : i32 to index
    %get3A_80 = arith.constant 80 : index
    %get3A_81 = tpu.vector_load %arg7[%get3A_79, %get3A_80] {strides = array<i32>} : memref<200x128xf32, #tpu.memory_space<vmem>>, vector<1x16xf32>,
    %get3A_82 = vector.shape_cast %get3A_81 : vector<1x16xf32> to vector<16xf32>
    %get3A_83 = arith.constant 1 : i32
    %get3A_84 = arith.index_cast %get3A_83 : i32 to index
    %get3A_85 = arith.constant 96 : index
    %get3A_86 = tpu.vector_load %arg7[%get3A_84, %get3A_85] {strides = array<i32>} : memref<200x128xf32, #tpu.memory_space<vmem>>, vector<1x16xf32>,
    %get3A_87 = vector.shape_cast %get3A_86 : vector<1x16xf32> to vector<16xf32>
    %get3A_88 = arith.constant 1 : i32
    %get3A_89 = arith.index_cast %get3A_88 : i32 to index
    %get3A_90 = arith.constant 112 : index
    %get3A_91 = tpu.vector_load %arg7[%get3A_89, %get3A_90] {strides = array<i32>} : memref<200x128xf32, #tpu.memory_space<vmem>>, vector<1x16xf32>,
    %get3A_92 = vector.shape_cast %get3A_91 : vector<1x16xf32> to vector<16xf32>
    %scan3A_93 = arith.constant 0 : i32
    %scan3A_94 = arith.constant 0 : i32
    %scan3A_95 = arith.constant 128 : i32
    %scan3A_96 = arith.addi %scan3A_94, %scan3A_95 : i32
    %scan3A_97 = arith.constant 1 : i32
    scf.for %scan3A_301 = %scan3A_94 to %scan3A_96 step %scan3A_97  : i32 {
      %swap3A = arith.index_cast %scan3A_301 : i32 to index
      %swap3A_302 = arith.constant 0 : index
      %swap3A_303 = tpu.vector_load %arg9[%swap3A, %swap3A_302] {strides = array<i32>} : memref<128x128xf32, #tpu.memory_space<vmem>>, vector<1x16xf32>,
      %swap3A_304 = vector.shape_cast %swap3A_303 : vector<1x16xf32> to vector<16xf32>
      %swap3A_305 = vector.shape_cast %get3A_57 : vector<16xf32> to vector<1x16xf32>
      tpu.vector_store %arg9[%swap3A, %swap3A_302], %swap3A_305 {strides = array<i32>} : memref<128x128xf32, #tpu.memory_space<vmem>>, vector<1x16xf32>,
      %swap3A_306 = arith.index_cast %scan3A_301 : i32 to index
      %swap3A_307 = arith.constant 16 : index
      %swap3A_308 = tpu.vector_load %arg9[%swap3A_306, %swap3A_307] {strides = array<i32>} : memref<128x128xf32, #tpu.memory_space<vmem>>, vector<1x16xf32>,
      %swap3A_309 = vector.shape_cast %swap3A_308 : vector<1x16xf32> to vector<16xf32>
      %swap3A_310 = vector.shape_cast %get3A_62 : vector<16xf32> to vector<1x16xf32>
      tpu.vector_store %arg9[%swap3A_306, %swap3A_307], %swap3A_310 {strides = array<i32>} : memref<128x128xf32, #tpu.memory_space<vmem>>, vector<1x16xf32>,
      %swap3A_311 = arith.index_cast %scan3A_301 : i32 to index
      %swap3A_312 = arith.constant 32 : index
      %swap3A_313 = tpu.vector_load %arg9[%swap3A_311, %swap3A_312] {strides = array<i32>} : memref<128x128xf32, #tpu.memory_space<vmem>>, vector<1x16xf32>,
      %swap3A_314 = vector.shape_cast %swap3A_313 : vector<1x16xf32> to vector<16xf32>
      %swap3A_315 = vector.shape_cast %get3A_67 : vector<16xf32> to vector<1x16xf32>
      tpu.vector_store %arg9[%swap3A_311, %swap3A_312], %swap3A_315 {strides = array<i32>} : memref<128x128xf32, #tpu.memory_space<vmem>>, vector<1x16xf32>,
      %swap3A_316 = arith.index_cast %scan3A_301 : i32 to index
      %swap3A_317 = arith.constant 48 : index
      %swap3A_318 = tpu.vector_load %arg9[%swap3A_316, %swap3A_317] {strides = array<i32>} : memref<128x128xf32, #tpu.memory_space<vmem>>, vector<1x16xf32>,
      %swap3A_319 = vector.shape_cast %swap3A_318 : vector<1x16xf32> to vector<16xf32>
      %swap3A_320 = vector.shape_cast %get3A_72 : vector<16xf32> to vector<1x16xf32>
      tpu.vector_store %arg9[%swap3A_316, %swap3A_317], %swap3A_320 {strides = array<i32>} : memref<128x128xf32, #tpu.memory_space<vmem>>, vector<1x16xf32>,
      %swap3A_321 = arith.index_cast %scan3A_301 : i32 to index
      %swap3A_322 = arith.constant 64 : index
      %swap3A_323 = tpu.vector_load %arg9[%swap3A_321, %swap3A_322] {strides = array<i32>} : memref<128x128xf32, #tpu.memory_space<vmem>>, vector<1x16xf32>,
      %swap3A_324 = vector.shape_cast %swap3A_323 : vector<1x16xf32> to vector<16xf32>
      %swap3A_325 = vector.shape_cast %get3A_77 : vector<16xf32> to vector<1x16xf32>
      tpu.vector_store %arg9[%swap3A_321, %swap3A_322], %swap3A_325 {strides = array<i32>} : memref<128x128xf32, #tpu.memory_space<vmem>>, vector<1x16xf32>,
      %swap3A_326 = arith.index_cast %scan3A_301 : i32 to index
      %swap3A_327 = arith.constant 80 : index
      %swap3A_328 = tpu.vector_load %arg9[%swap3A_326, %swap3A_327] {strides = array<i32>} : memref<128x128xf32, #tpu.memory_space<vmem>>, vector<1x16xf32>,
      %swap3A_329 = vector.shape_cast %swap3A_328 : vector<1x16xf32> to vector<16xf32>
      %swap3A_330 = vector.shape_cast %get3A_82 : vector<16xf32> to vector<1x16xf32>
      tpu.vector_store %arg9[%swap3A_326, %swap3A_327], %swap3A_330 {strides = array<i32>} : memref<128x128xf32, #tpu.memory_space<vmem>>, vector<1x16xf32>,
      %swap3A_331 = arith.index_cast %scan3A_301 : i32 to index
      %swap3A_332 = arith.constant 96 : index
      %swap3A_333 = tpu.vector_load %arg9[%swap3A_331, %swap3A_332] {strides = array<i32>} : memref<128x128xf32, #tpu.memory_space<vmem>>, vector<1x16xf32>,
      %swap3A_334 = vector.shape_cast %swap3A_333 : vector<1x16xf32> to vector<16xf32>
      %swap3A_335 = vector.shape_cast %get3A_87 : vector<16xf32> to vector<1x16xf32>
      tpu.vector_store %arg9[%swap3A_331, %swap3A_332], %swap3A_335 {strides = array<i32>} : memref<128x128xf32, #tpu.memory_space<vmem>>, vector<1x16xf32>,
      %swap3A_336 = arith.index_cast %scan3A_301 : i32 to index
      %swap3A_337 = arith.constant 112 : index
      %swap3A_338 = tpu.vector_load %arg9[%swap3A_336, %swap3A_337] {strides = array<i32>} : memref<128x128xf32, #tpu.memory_space<vmem>>, vector<1x16xf32>,
      %swap3A_339 = vector.shape_cast %swap3A_338 : vector<1x16xf32> to vector<16xf32>
      %swap3A_340 = vector.shape_cast %get3A_92 : vector<16xf32> to vector<1x16xf32>
      tpu.vector_store %arg9[%swap3A_336, %swap3A_337], %swap3A_340 {strides = array<i32>} : memref<128x128xf32, #tpu.memory_space<vmem>>, vector<1x16xf32>,
    }
    %scan3A_98 = arith.constant 128 : i32
    %dma_start3A_99 = arith.constant 1 : i32
    %dma_start3A_100 = arith.constant 0 : i32
    %dma_start3A_101 = tpu.memref_slice %arg6[%dma_start3A_99, %dma_start3A_100] : memref<200x128xi32, #tpu.memory_space<vmem>> -> memref<1x128xi32, #tpu.memory_space<vmem>>
    %dma_start3A_102 = tpu.memref_squeeze %dma_start3A_101 : memref<1x128xi32, #tpu.memory_space<vmem>> -> memref<128xi32, #tpu.memory_space<vmem>>
    %dma_start3A_103 = arith.constant 0 : i32
    %dma_start3A_104 = arith.constant 0 : i32
    %dma_start3A_105 = tpu.memref_slice %arg3[%dma_start3A_103, %dma_start3A_104] : memref<100000x128xf32, #tpu.memory_space<hbm>> -> memref<100000x128xf32, #tpu.memory_space<hbm>>
    tpu.enqueue_indirect_dma source(%dma_start3A_105 : memref<100000x128xf32, #tpu.memory_space<hbm>>) target(%arg9 : memref<128x128xf32, #tpu.memory_space<vmem>>) offsets(%dma_start3A_102 : memref<128xi32, #tpu.memory_space<vmem>>) semaphore(%arg13 : memref<!tpu.dma_semaphore, #tpu.memory_space<semaphore_mem>>) {add = true}
    %get3A_106 = arith.constant 2 : i32
    %get3A_107 = arith.index_cast %get3A_106 : i32 to index
    %get3A_108 = arith.constant 0 : index
    %get3A_109 = tpu.vector_load %arg7[%get3A_107, %get3A_108] {strides = array<i32>} : memref<200x128xf32, #tpu.memory_space<vmem>>, vector<1x16xf32>,
    %get3A_110 = vector.shape_cast %get3A_109 : vector<1x16xf32> to vector<16xf32>
    %get3A_111 = arith.constant 2 : i32
    %get3A_112 = arith.index_cast %get3A_111 : i32 to index
    %get3A_113 = arith.constant 16 : index
    %get3A_114 = tpu.vector_load %arg7[%get3A_112, %get3A_113] {strides = array<i32>} : memref<200x128xf32, #tpu.memory_space<vmem>>, vector<1x16xf32>,
    %get3A_115 = vector.shape_cast %get3A_114 : vector<1x16xf32> to vector<16xf32>
    %get3A_116 = arith.constant 2 : i32
    %get3A_117 = arith.index_cast %get3A_116 : i32 to index
    %get3A_118 = arith.constant 32 : index
    %get3A_119 = tpu.vector_load %arg7[%get3A_117, %get3A_118] {strides = array<i32>} : memref<200x128xf32, #tpu.memory_space<vmem>>, vector<1x16xf32>,
    %get3A_120 = vector.shape_cast %get3A_119 : vector<1x16xf32> to vector<16xf32>
    %get3A_121 = arith.constant 2 : i32
    %get3A_122 = arith.index_cast %get3A_121 : i32 to index
    %get3A_123 = arith.constant 48 : index
    %get3A_124 = tpu.vector_load %arg7[%get3A_122, %get3A_123] {strides = array<i32>} : memref<200x128xf32, #tpu.memory_space<vmem>>, vector<1x16xf32>,
    %get3A_125 = vector.shape_cast %get3A_124 : vector<1x16xf32> to vector<16xf32>
    %get3A_126 = arith.constant 2 : i32
    %get3A_127 = arith.index_cast %get3A_126 : i32 to index
    %get3A_128 = arith.constant 64 : index
    %get3A_129 = tpu.vector_load %arg7[%get3A_127, %get3A_128] {strides = array<i32>} : memref<200x128xf32, #tpu.memory_space<vmem>>, vector<1x16xf32>,
    %get3A_130 = vector.shape_cast %get3A_129 : vector<1x16xf32> to vector<16xf32>
    %get3A_131 = arith.constant 2 : i32
    %get3A_132 = arith.index_cast %get3A_131 : i32 to index
    %get3A_133 = arith.constant 80 : index
    %get3A_134 = tpu.vector_load %arg7[%get3A_132, %get3A_133] {strides = array<i32>} : memref<200x128xf32, #tpu.memory_space<vmem>>, vector<1x16xf32>,
    %get3A_135 = vector.shape_cast %get3A_134 : vector<1x16xf32> to vector<16xf32>
    %get3A_136 = arith.constant 2 : i32
    %get3A_137 = arith.index_cast %get3A_136 : i32 to index
    %get3A_138 = arith.constant 96 : index
    %get3A_139 = tpu.vector_load %arg7[%get3A_137, %get3A_138] {strides = array<i32>} : memref<200x128xf32, #tpu.memory_space<vmem>>, vector<1x16xf32>,
    %get3A_140 = vector.shape_cast %get3A_139 : vector<1x16xf32> to vector<16xf32>
    %get3A_141 = arith.constant 2 : i32
    %get3A_142 = arith.index_cast %get3A_141 : i32 to index
    %get3A_143 = arith.constant 112 : index
    %get3A_144 = tpu.vector_load %arg7[%get3A_142, %get3A_143] {strides = array<i32>} : memref<200x128xf32, #tpu.memory_space<vmem>>, vector<1x16xf32>,
    %get3A_145 = vector.shape_cast %get3A_144 : vector<1x16xf32> to vector<16xf32>
    %scan3A_146 = arith.constant 0 : i32
    %scan3A_147 = arith.constant 0 : i32
    %scan3A_148 = arith.constant 128 : i32
    %scan3A_149 = arith.addi %scan3A_147, %scan3A_148 : i32
    %scan3A_150 = arith.constant 1 : i32
    scf.for %scan3A_301 = %scan3A_147 to %scan3A_149 step %scan3A_150  : i32 {
      %swap3A = arith.index_cast %scan3A_301 : i32 to index
      %swap3A_302 = arith.constant 0 : index
      %swap3A_303 = tpu.vector_load %arg10[%swap3A, %swap3A_302] {strides = array<i32>} : memref<128x128xf32, #tpu.memory_space<vmem>>, vector<1x16xf32>,
      %swap3A_304 = vector.shape_cast %swap3A_303 : vector<1x16xf32> to vector<16xf32>
      %swap3A_305 = vector.shape_cast %get3A_110 : vector<16xf32> to vector<1x16xf32>
      tpu.vector_store %arg10[%swap3A, %swap3A_302], %swap3A_305 {strides = array<i32>} : memref<128x128xf32, #tpu.memory_space<vmem>>, vector<1x16xf32>,
      %swap3A_306 = arith.index_cast %scan3A_301 : i32 to index
      %swap3A_307 = arith.constant 16 : index
      %swap3A_308 = tpu.vector_load %arg10[%swap3A_306, %swap3A_307] {strides = array<i32>} : memref<128x128xf32, #tpu.memory_space<vmem>>, vector<1x16xf32>,
      %swap3A_309 = vector.shape_cast %swap3A_308 : vector<1x16xf32> to vector<16xf32>
      %swap3A_310 = vector.shape_cast %get3A_115 : vector<16xf32> to vector<1x16xf32>
      tpu.vector_store %arg10[%swap3A_306, %swap3A_307], %swap3A_310 {strides = array<i32>} : memref<128x128xf32, #tpu.memory_space<vmem>>, vector<1x16xf32>,
      %swap3A_311 = arith.index_cast %scan3A_301 : i32 to index
      %swap3A_312 = arith.constant 32 : index
      %swap3A_313 = tpu.vector_load %arg10[%swap3A_311, %swap3A_312] {strides = array<i32>} : memref<128x128xf32, #tpu.memory_space<vmem>>, vector<1x16xf32>,
      %swap3A_314 = vector.shape_cast %swap3A_313 : vector<1x16xf32> to vector<16xf32>
      %swap3A_315 = vector.shape_cast %get3A_120 : vector<16xf32> to vector<1x16xf32>
      tpu.vector_store %arg10[%swap3A_311, %swap3A_312], %swap3A_315 {strides = array<i32>} : memref<128x128xf32, #tpu.memory_space<vmem>>, vector<1x16xf32>,
      %swap3A_316 = arith.index_cast %scan3A_301 : i32 to index
      %swap3A_317 = arith.constant 48 : index
      %swap3A_318 = tpu.vector_load %arg10[%swap3A_316, %swap3A_317] {strides = array<i32>} : memref<128x128xf32, #tpu.memory_space<vmem>>, vector<1x16xf32>,
      %swap3A_319 = vector.shape_cast %swap3A_318 : vector<1x16xf32> to vector<16xf32>
      %swap3A_320 = vector.shape_cast %get3A_125 : vector<16xf32> to vector<1x16xf32>
      tpu.vector_store %arg10[%swap3A_316, %swap3A_317], %swap3A_320 {strides = array<i32>} : memref<128x128xf32, #tpu.memory_space<vmem>>, vector<1x16xf32>,
      %swap3A_321 = arith.index_cast %scan3A_301 : i32 to index
      %swap3A_322 = arith.constant 64 : index
      %swap3A_323 = tpu.vector_load %arg10[%swap3A_321, %swap3A_322] {strides = array<i32>} : memref<128x128xf32, #tpu.memory_space<vmem>>, vector<1x16xf32>,
      %swap3A_324 = vector.shape_cast %swap3A_323 : vector<1x16xf32> to vector<16xf32>
      %swap3A_325 = vector.shape_cast %get3A_130 : vector<16xf32> to vector<1x16xf32>
      tpu.vector_store %arg10[%swap3A_321, %swap3A_322], %swap3A_325 {strides = array<i32>} : memref<128x128xf32, #tpu.memory_space<vmem>>, vector<1x16xf32>,
      %swap3A_326 = arith.index_cast %scan3A_301 : i32 to index
      %swap3A_327 = arith.constant 80 : index
      %swap3A_328 = tpu.vector_load %arg10[%swap3A_326, %swap3A_327] {strides = array<i32>} : memref<128x128xf32, #tpu.memory_space<vmem>>, vector<1x16xf32>,
      %swap3A_329 = vector.shape_cast %swap3A_328 : vector<1x16xf32> to vector<16xf32>
      %swap3A_330 = vector.shape_cast %get3A_135 : vector<16xf32> to vector<1x16xf32>
      tpu.vector_store %arg10[%swap3A_326, %swap3A_327], %swap3A_330 {strides = array<i32>} : memref<128x128xf32, #tpu.memory_space<vmem>>, vector<1x16xf32>,
      %swap3A_331 = arith.index_cast %scan3A_301 : i32 to index
      %swap3A_332 = arith.constant 96 : index
      %swap3A_333 = tpu.vector_load %arg10[%swap3A_331, %swap3A_332] {strides = array<i32>} : memref<128x128xf32, #tpu.memory_space<vmem>>, vector<1x16xf32>,
      %swap3A_334 = vector.shape_cast %swap3A_333 : vector<1x16xf32> to vector<16xf32>
      %swap3A_335 = vector.shape_cast %get3A_140 : vector<16xf32> to vector<1x16xf32>
      tpu.vector_store %arg10[%swap3A_331, %swap3A_332], %swap3A_335 {strides = array<i32>} : memref<128x128xf32, #tpu.memory_space<vmem>>, vector<1x16xf32>,
      %swap3A_336 = arith.index_cast %scan3A_301 : i32 to index
      %swap3A_337 = arith.constant 112 : index
      %swap3A_338 = tpu.vector_load %arg10[%swap3A_336, %swap3A_337] {strides = array<i32>} : memref<128x128xf32, #tpu.memory_space<vmem>>, vector<1x16xf32>,
      %swap3A_339 = vector.shape_cast %swap3A_338 : vector<1x16xf32> to vector<16xf32>
      %swap3A_340 = vector.shape_cast %get3A_145 : vector<16xf32> to vector<1x16xf32>
      tpu.vector_store %arg10[%swap3A_336, %swap3A_337], %swap3A_340 {strides = array<i32>} : memref<128x128xf32, #tpu.memory_space<vmem>>, vector<1x16xf32>,
    }
    %scan3A_151 = arith.constant 128 : i32
    %dma_start3A_152 = arith.constant 2 : i32
    %dma_start3A_153 = arith.constant 0 : i32
    %dma_start3A_154 = tpu.memref_slice %arg6[%dma_start3A_152, %dma_start3A_153] : memref<200x128xi32, #tpu.memory_space<vmem>> -> memref<1x128xi32, #tpu.memory_space<vmem>>
    %dma_start3A_155 = tpu.memref_squeeze %dma_start3A_154 : memref<1x128xi32, #tpu.memory_space<vmem>> -> memref<128xi32, #tpu.memory_space<vmem>>
    %dma_start3A_156 = arith.constant 0 : i32
    %dma_start3A_157 = arith.constant 0 : i32
    %dma_start3A_158 = tpu.memref_slice %arg3[%dma_start3A_156, %dma_start3A_157] : memref<100000x128xf32, #tpu.memory_space<hbm>> -> memref<100000x128xf32, #tpu.memory_space<hbm>>
    tpu.enqueue_indirect_dma source(%dma_start3A_158 : memref<100000x128xf32, #tpu.memory_space<hbm>>) target(%arg10 : memref<128x128xf32, #tpu.memory_space<vmem>>) offsets(%dma_start3A_155 : memref<128xi32, #tpu.memory_space<vmem>>) semaphore(%arg14 : memref<!tpu.dma_semaphore, #tpu.memory_space<semaphore_mem>>) {add = true}
    %dma_wait3A = arith.constant 0 : i32
    %dma_wait3A_159 = arith.constant 0 : i32
    %dma_wait3A_160 = tpu.memref_slice %arg6[%dma_wait3A, %dma_wait3A_159] : memref<200x128xi32, #tpu.memory_space<vmem>> -> memref<1x128xi32, #tpu.memory_space<vmem>>
    %dma_wait3A_161 = tpu.memref_squeeze %dma_wait3A_160 : memref<1x128xi32, #tpu.memory_space<vmem>> -> memref<128xi32, #tpu.memory_space<vmem>>
    %dma_wait3A_162 = arith.constant 0 : i32
    %dma_wait3A_163 = arith.constant 0 : i32
    %dma_wait3A_164 = tpu.memref_slice %arg3[%dma_wait3A_162, %dma_wait3A_163] : memref<100000x128xf32, #tpu.memory_space<hbm>> -> memref<100000x128xf32, #tpu.memory_space<hbm>>
    tpu.wait_indirect_dma semaphore(%arg12 : memref<!tpu.dma_semaphore, #tpu.memory_space<semaphore_mem>>) src(%dma_wait3A_164 : memref<100000x128xf32, #tpu.memory_space<hbm>>) dst(%arg8 : memref<128x128xf32, #tpu.memory_space<vmem>>)
    %dma_start3A_165 = arith.constant 0 : i32
    %dma_start3A_166 = arith.constant 0 : i32
    %dma_start3A_167 = tpu.memref_slice %arg5[%mul3A_2, %dma_start3A_165, %dma_start3A_166] : memref<4096x200x128xf32, #tpu.memory_space<hbm>> -> memref<128x1x128xf32, #tpu.memory_space<hbm>>
    %dma_start3A_168 = tpu.memref_squeeze %dma_start3A_167 : memref<128x1x128xf32, #tpu.memory_space<hbm>> -> memref<128x128xf32, #tpu.memory_space<hbm>>
    %dma_start3A_169 = arith.constant 0 : i32
    %dma_start3A_170 = tpu.memref_slice %arg5[%mul3A_2, %dma_start3A_165, %dma_start3A_169] : memref<4096x200x128xf32, #tpu.memory_space<hbm>> -> memref<128x1x128xf32, #tpu.memory_space<hbm>>
    %dma_start3A_171 = tpu.memref_squeeze %dma_start3A_170 : memref<128x1x128xf32, #tpu.memory_space<hbm>> -> memref<128x128xf32, #tpu.memory_space<hbm>>
    tpu.enqueue_dma source(%arg8 : memref<128x128xf32, #tpu.memory_space<vmem>>) target(%dma_start3A_171 : memref<128x128xf32, #tpu.memory_space<hbm>>) target_semaphore(%arg16 : memref<!tpu.dma_semaphore, #tpu.memory_space<semaphore_mem>>)
    %get3A_172 = arith.constant 3 : i32
    %get3A_173 = arith.index_cast %get3A_172 : i32 to index
    %get3A_174 = arith.constant 0 : index
    %get3A_175 = tpu.vector_load %arg7[%get3A_173, %get3A_174] {strides = array<i32>} : memref<200x128xf32, #tpu.memory_space<vmem>>, vector<1x16xf32>,
    %get3A_176 = vector.shape_cast %get3A_175 : vector<1x16xf32> to vector<16xf32>
    %get3A_177 = arith.constant 3 : i32
    %get3A_178 = arith.index_cast %get3A_177 : i32 to index
    %get3A_179 = arith.constant 16 : index
    %get3A_180 = tpu.vector_load %arg7[%get3A_178, %get3A_179] {strides = array<i32>} : memref<200x128xf32, #tpu.memory_space<vmem>>, vector<1x16xf32>,
    %get3A_181 = vector.shape_cast %get3A_180 : vector<1x16xf32> to vector<16xf32>
    %get3A_182 = arith.constant 3 : i32
    %get3A_183 = arith.index_cast %get3A_182 : i32 to index
    %get3A_184 = arith.constant 32 : index
    %get3A_185 = tpu.vector_load %arg7[%get3A_183, %get3A_184] {strides = array<i32>} : memref<200x128xf32, #tpu.memory_space<vmem>>, vector<1x16xf32>,
    %get3A_186 = vector.shape_cast %get3A_185 : vector<1x16xf32> to vector<16xf32>
    %get3A_187 = arith.constant 3 : i32
    %get3A_188 = arith.index_cast %get3A_187 : i32 to index
    %get3A_189 = arith.constant 48 : index
    %get3A_190 = tpu.vector_load %arg7[%get3A_188, %get3A_189] {strides = array<i32>} : memref<200x128xf32, #tpu.memory_space<vmem>>, vector<1x16xf32>,
    %get3A_191 = vector.shape_cast %get3A_190 : vector<1x16xf32> to vector<16xf32>
    %get3A_192 = arith.constant 3 : i32
    %get3A_193 = arith.index_cast %get3A_192 : i32 to index
    %get3A_194 = arith.constant 64 : index
    %get3A_195 = tpu.vector_load %arg7[%get3A_193, %get3A_194] {strides = array<i32>} : memref<200x128xf32, #tpu.memory_space<vmem>>, vector<1x16xf32>,
    %get3A_196 = vector.shape_cast %get3A_195 : vector<1x16xf32> to vector<16xf32>
    %get3A_197 = arith.constant 3 : i32
    %get3A_198 = arith.index_cast %get3A_197 : i32 to index
    %get3A_199 = arith.constant 80 : index
    %get3A_200 = tpu.vector_load %arg7[%get3A_198, %get3A_199] {strides = array<i32>} : memref<200x128xf32, #tpu.memory_space<vmem>>, vector<1x16xf32>,
    %get3A_201 = vector.shape_cast %get3A_200 : vector<1x16xf32> to vector<16xf32>
    %get3A_202 = arith.constant 3 : i32
    %get3A_203 = arith.index_cast %get3A_202 : i32 to index
    %get3A_204 = arith.constant 96 : index
    %get3A_205 = tpu.vector_load %arg7[%get3A_203, %get3A_204] {strides = array<i32>} : memref<200x128xf32, #tpu.memory_space<vmem>>, vector<1x16xf32>,
    %get3A_206 = vector.shape_cast %get3A_205 : vector<1x16xf32> to vector<16xf32>
    %get3A_207 = arith.constant 3 : i32
    %get3A_208 = arith.index_cast %get3A_207 : i32 to index
    %get3A_209 = arith.constant 112 : index
    %get3A_210 = tpu.vector_load %arg7[%get3A_208, %get3A_209] {strides = array<i32>} : memref<200x128xf32, #tpu.memory_space<vmem>>, vector<1x16xf32>,
    %get3A_211 = vector.shape_cast %get3A_210 : vector<1x16xf32> to vector<16xf32>
    %scan3A_212 = arith.constant 0 : i32
    %scan3A_213 = arith.constant 0 : i32
    %scan3A_214 = arith.constant 128 : i32
    %scan3A_215 = arith.addi %scan3A_213, %scan3A_214 : i32
    %scan3A_216 = arith.constant 1 : i32
    scf.for %scan3A_301 = %scan3A_213 to %scan3A_215 step %scan3A_216  : i32 {
      %swap3A = arith.index_cast %scan3A_301 : i32 to index
      %swap3A_302 = arith.constant 0 : index
      %swap3A_303 = tpu.vector_load %arg11[%swap3A, %swap3A_302] {strides = array<i32>} : memref<128x128xf32, #tpu.memory_space<vmem>>, vector<1x16xf32>,
      %swap3A_304 = vector.shape_cast %swap3A_303 : vector<1x16xf32> to vector<16xf32>
      %swap3A_305 = vector.shape_cast %get3A_176 : vector<16xf32> to vector<1x16xf32>
      tpu.vector_store %arg11[%swap3A, %swap3A_302], %swap3A_305 {strides = array<i32>} : memref<128x128xf32, #tpu.memory_space<vmem>>, vector<1x16xf32>,
      %swap3A_306 = arith.index_cast %scan3A_301 : i32 to index
      %swap3A_307 = arith.constant 16 : index
      %swap3A_308 = tpu.vector_load %arg11[%swap3A_306, %swap3A_307] {strides = array<i32>} : memref<128x128xf32, #tpu.memory_space<vmem>>, vector<1x16xf32>,
      %swap3A_309 = vector.shape_cast %swap3A_308 : vector<1x16xf32> to vector<16xf32>
      %swap3A_310 = vector.shape_cast %get3A_181 : vector<16xf32> to vector<1x16xf32>
      tpu.vector_store %arg11[%swap3A_306, %swap3A_307], %swap3A_310 {strides = array<i32>} : memref<128x128xf32, #tpu.memory_space<vmem>>, vector<1x16xf32>,
      %swap3A_311 = arith.index_cast %scan3A_301 : i32 to index
      %swap3A_312 = arith.constant 32 : index
      %swap3A_313 = tpu.vector_load %arg11[%swap3A_311, %swap3A_312] {strides = array<i32>} : memref<128x128xf32, #tpu.memory_space<vmem>>, vector<1x16xf32>,
      %swap3A_314 = vector.shape_cast %swap3A_313 : vector<1x16xf32> to vector<16xf32>
      %swap3A_315 = vector.shape_cast %get3A_186 : vector<16xf32> to vector<1x16xf32>
      tpu.vector_store %arg11[%swap3A_311, %swap3A_312], %swap3A_315 {strides = array<i32>} : memref<128x128xf32, #tpu.memory_space<vmem>>, vector<1x16xf32>,
      %swap3A_316 = arith.index_cast %scan3A_301 : i32 to index
      %swap3A_317 = arith.constant 48 : index
      %swap3A_318 = tpu.vector_load %arg11[%swap3A_316, %swap3A_317] {strides = array<i32>} : memref<128x128xf32, #tpu.memory_space<vmem>>, vector<1x16xf32>,
      %swap3A_319 = vector.shape_cast %swap3A_318 : vector<1x16xf32> to vector<16xf32>
      %swap3A_320 = vector.shape_cast %get3A_191 : vector<16xf32> to vector<1x16xf32>
      tpu.vector_store %arg11[%swap3A_316, %swap3A_317], %swap3A_320 {strides = array<i32>} : memref<128x128xf32, #tpu.memory_space<vmem>>, vector<1x16xf32>,
      %swap3A_321 = arith.index_cast %scan3A_301 : i32 to index
      %swap3A_322 = arith.constant 64 : index
      %swap3A_323 = tpu.vector_load %arg11[%swap3A_321, %swap3A_322] {strides = array<i32>} : memref<128x128xf32, #tpu.memory_space<vmem>>, vector<1x16xf32>,
      %swap3A_324 = vector.shape_cast %swap3A_323 : vector<1x16xf32> to vector<16xf32>
      %swap3A_325 = vector.shape_cast %get3A_196 : vector<16xf32> to vector<1x16xf32>
      tpu.vector_store %arg11[%swap3A_321, %swap3A_322], %swap3A_325 {strides = array<i32>} : memref<128x128xf32, #tpu.memory_space<vmem>>, vector<1x16xf32>,
      %swap3A_326 = arith.index_cast %scan3A_301 : i32 to index
      %swap3A_327 = arith.constant 80 : index
      %swap3A_328 = tpu.vector_load %arg11[%swap3A_326, %swap3A_327] {strides = array<i32>} : memref<128x128xf32, #tpu.memory_space<vmem>>, vector<1x16xf32>,
      %swap3A_329 = vector.shape_cast %swap3A_328 : vector<1x16xf32> to vector<16xf32>
      %swap3A_330 = vector.shape_cast %get3A_201 : vector<16xf32> to vector<1x16xf32>
      tpu.vector_store %arg11[%swap3A_326, %swap3A_327], %swap3A_330 {strides = array<i32>} : memref<128x128xf32, #tpu.memory_space<vmem>>, vector<1x16xf32>,
      %swap3A_331 = arith.index_cast %scan3A_301 : i32 to index
      %swap3A_332 = arith.constant 96 : index
      %swap3A_333 = tpu.vector_load %arg11[%swap3A_331, %swap3A_332] {strides = array<i32>} : memref<128x128xf32, #tpu.memory_space<vmem>>, vector<1x16xf32>,
      %swap3A_334 = vector.shape_cast %swap3A_333 : vector<1x16xf32> to vector<16xf32>
      %swap3A_335 = vector.shape_cast %get3A_206 : vector<16xf32> to vector<1x16xf32>
      tpu.vector_store %arg11[%swap3A_331, %swap3A_332], %swap3A_335 {strides = array<i32>} : memref<128x128xf32, #tpu.memory_space<vmem>>, vector<1x16xf32>,
      %swap3A_336 = arith.index_cast %scan3A_301 : i32 to index
      %swap3A_337 = arith.constant 112 : index
      %swap3A_338 = tpu.vector_load %arg11[%swap3A_336, %swap3A_337] {strides = array<i32>} : memref<128x128xf32, #tpu.memory_space<vmem>>, vector<1x16xf32>,
      %swap3A_339 = vector.shape_cast %swap3A_338 : vector<1x16xf32> to vector<16xf32>
      %swap3A_340 = vector.shape_cast %get3A_211 : vector<16xf32> to vector<1x16xf32>
      tpu.vector_store %arg11[%swap3A_336, %swap3A_337], %swap3A_340 {strides = array<i32>} : memref<128x128xf32, #tpu.memory_space<vmem>>, vector<1x16xf32>,
    }
    %scan3A_217 = arith.constant 128 : i32
    %dma_start3A_218 = arith.constant 3 : i32
    %dma_start3A_219 = arith.constant 0 : i32
    %dma_start3A_220 = tpu.memref_slice %arg6[%dma_start3A_218, %dma_start3A_219] : memref<200x128xi32, #tpu.memory_space<vmem>> -> memref<1x128xi32, #tpu.memory_space<vmem>>
    %dma_start3A_221 = tpu.memref_squeeze %dma_start3A_220 : memref<1x128xi32, #tpu.memory_space<vmem>> -> memref<128xi32, #tpu.memory_space<vmem>>
    %dma_start3A_222 = arith.constant 0 : i32
    %dma_start3A_223 = arith.constant 0 : i32
    %dma_start3A_224 = tpu.memref_slice %arg3[%dma_start3A_222, %dma_start3A_223] : memref<100000x128xf32, #tpu.memory_space<hbm>> -> memref<100000x128xf32, #tpu.memory_space<hbm>>
    tpu.enqueue_indirect_dma source(%dma_start3A_224 : memref<100000x128xf32, #tpu.memory_space<hbm>>) target(%arg11 : memref<128x128xf32, #tpu.memory_space<vmem>>) offsets(%dma_start3A_221 : memref<128xi32, #tpu.memory_space<vmem>>) semaphore(%arg15 : memref<!tpu.dma_semaphore, #tpu.memory_space<semaphore_mem>>) {add = true}
    %dma_wait3A_225 = arith.constant 1 : i32
    %dma_wait3A_226 = arith.constant 0 : i32
    %dma_wait3A_227 = tpu.memref_slice %arg6[%dma_wait3A_225, %dma_wait3A_226] : memref<200x128xi32, #tpu.memory_space<vmem>> -> memref<1x128xi32, #tpu.memory_space<vmem>>
    %dma_wait3A_228 = tpu.memref_squeeze %dma_wait3A_227 : memref<1x128xi32, #tpu.memory_space<vmem>> -> memref<128xi32, #tpu.memory_space<vmem>>
    %dma_wait3A_229 = arith.constant 0 : i32
    %dma_wait3A_230 = arith.constant 0 : i32
    %dma_wait3A_231 = tpu.memref_slice %arg3[%dma_wait3A_229, %dma_wait3A_230] : memref<100000x128xf32, #tpu.memory_space<hbm>> -> memref<100000x128xf32, #tpu.memory_space<hbm>>
    tpu.wait_indirect_dma semaphore(%arg13 : memref<!tpu.dma_semaphore, #tpu.memory_space<semaphore_mem>>) src(%dma_wait3A_231 : memref<100000x128xf32, #tpu.memory_space<hbm>>) dst(%arg9 : memref<128x128xf32, #tpu.memory_space<vmem>>)
    %dma_start3A_232 = arith.constant 1 : i32
    %dma_start3A_233 = arith.constant 0 : i32
    %dma_start3A_234 = tpu.memref_slice %arg5[%mul3A_2, %dma_start3A_232, %dma_start3A_233] : memref<4096x200x128xf32, #tpu.memory_space<hbm>> -> memref<128x1x128xf32, #tpu.memory_space<hbm>>
    %dma_start3A_235 = tpu.memref_squeeze %dma_start3A_234 : memref<128x1x128xf32, #tpu.memory_space<hbm>> -> memref<128x128xf32, #tpu.memory_space<hbm>>
    %dma_start3A_236 = arith.constant 0 : i32
    %dma_start3A_237 = tpu.memref_slice %arg5[%mul3A_2, %dma_start3A_232, %dma_start3A_236] : memref<4096x200x128xf32, #tpu.memory_space<hbm>> -> memref<128x1x128xf32, #tpu.memory_space<hbm>>
    %dma_start3A_238 = tpu.memref_squeeze %dma_start3A_237 : memref<128x1x128xf32, #tpu.memory_space<hbm>> -> memref<128x128xf32, #tpu.memory_space<hbm>>
    tpu.enqueue_dma source(%arg9 : memref<128x128xf32, #tpu.memory_space<vmem>>) target(%dma_start3A_238 : memref<128x128xf32, #tpu.memory_space<hbm>>) target_semaphore(%arg17 : memref<!tpu.dma_semaphore, #tpu.memory_space<semaphore_mem>>)
    %scan3A_239 = arith.constant 0 : i32
    %scan3A_240 = arith.constant 1 : i32
    %scan3A_241 = arith.constant 49 : i32
    %scan3A_242 = arith.addi %scan3A_240, %scan3A_241 : i32
    %scan3A_243 = arith.constant 1 : i32
    scf.for %scan3A_301 = %scan3A_240 to %scan3A_242 step %scan3A_243  : i32 {
      %mul3A_302 = arith.constant 4 : i32
      %mul3A_303 = arith.muli %mul3A_302, %scan3A_301 : i32
      %add3A_304 = arith.constant 0 : i32
      %add3A_305 = arith.addi %mul3A_303, %add3A_304 : i32
      %sub3A = arith.constant 4 : i32
      %sub3A_306 = arith.subi %add3A_305, %sub3A : i32
      %dma_wait3A_307 = arith.constant 0 : i32
      %dma_wait3A_308 = tpu.memref_slice %arg5[%mul3A_2, %sub3A_306, %dma_wait3A_307] : memref<4096x200x128xf32, #tpu.memory_space<hbm>> -> memref<128x1x128xf32, #tpu.memory_space<hbm>>
      %dma_wait3A_309 = tpu.memref_squeeze %dma_wait3A_308 : memref<128x1x128xf32, #tpu.memory_space<hbm>> -> memref<128x128xf32, #tpu.memory_space<hbm>>
      %dma_wait3A_310 = arith.constant 0 : i32
      %dma_wait3A_311 = tpu.memref_slice %arg5[%mul3A_2, %sub3A_306, %dma_wait3A_310] : memref<4096x200x128xf32, #tpu.memory_space<hbm>> -> memref<128x1x128xf32, #tpu.memory_space<hbm>>
      %dma_wait3A_312 = tpu.memref_squeeze %dma_wait3A_311 : memref<128x1x128xf32, #tpu.memory_space<hbm>> -> memref<128x128xf32, #tpu.memory_space<hbm>>
      tpu.wait_dma2 semaphore(%arg16 : memref<!tpu.dma_semaphore, #tpu.memory_space<semaphore_mem>>) src(%arg8 : memref<128x128xf32, #tpu.memory_space<vmem>>) dst(%dma_wait3A_312 : memref<128x128xf32, #tpu.memory_space<hbm>>)
      %get3A_313 = arith.index_cast %add3A_305 : i32 to index
      %get3A_314 = arith.constant 0 : index
      %get3A_315 = tpu.vector_load %arg7[%get3A_313, %get3A_314] {strides = array<i32>} : memref<200x128xf32, #tpu.memory_space<vmem>>, vector<1x16xf32>,
      %get3A_316 = vector.shape_cast %get3A_315 : vector<1x16xf32> to vector<16xf32>
      %get3A_317 = arith.index_cast %add3A_305 : i32 to index
      %get3A_318 = arith.constant 16 : index
      %get3A_319 = tpu.vector_load %arg7[%get3A_317, %get3A_318] {strides = array<i32>} : memref<200x128xf32, #tpu.memory_space<vmem>>, vector<1x16xf32>,
      %get3A_320 = vector.shape_cast %get3A_319 : vector<1x16xf32> to vector<16xf32>
      %get3A_321 = arith.index_cast %add3A_305 : i32 to index
      %get3A_322 = arith.constant 32 : index
      %get3A_323 = tpu.vector_load %arg7[%get3A_321, %get3A_322] {strides = array<i32>} : memref<200x128xf32, #tpu.memory_space<vmem>>, vector<1x16xf32>,
      %get3A_324 = vector.shape_cast %get3A_323 : vector<1x16xf32> to vector<16xf32>
      %get3A_325 = arith.index_cast %add3A_305 : i32 to index
      %get3A_326 = arith.constant 48 : index
      %get3A_327 = tpu.vector_load %arg7[%get3A_325, %get3A_326] {strides = array<i32>} : memref<200x128xf32, #tpu.memory_space<vmem>>, vector<1x16xf32>,
      %get3A_328 = vector.shape_cast %get3A_327 : vector<1x16xf32> to vector<16xf32>
      %get3A_329 = arith.index_cast %add3A_305 : i32 to index
      %get3A_330 = arith.constant 64 : index
      %get3A_331 = tpu.vector_load %arg7[%get3A_329, %get3A_330] {strides = array<i32>} : memref<200x128xf32, #tpu.memory_space<vmem>>, vector<1x16xf32>,
      %get3A_332 = vector.shape_cast %get3A_331 : vector<1x16xf32> to vector<16xf32>
      %get3A_333 = arith.index_cast %add3A_305 : i32 to index
      %get3A_334 = arith.constant 80 : index
      %get3A_335 = tpu.vector_load %arg7[%get3A_333, %get3A_334] {strides = array<i32>} : memref<200x128xf32, #tpu.memory_space<vmem>>, vector<1x16xf32>,
      %get3A_336 = vector.shape_cast %get3A_335 : vector<1x16xf32> to vector<16xf32>
      %get3A_337 = arith.index_cast %add3A_305 : i32 to index
      %get3A_338 = arith.constant 96 : index
      %get3A_339 = tpu.vector_load %arg7[%get3A_337, %get3A_338] {strides = array<i32>} : memref<200x128xf32, #tpu.memory_space<vmem>>, vector<1x16xf32>,
      %get3A_340 = vector.shape_cast %get3A_339 : vector<1x16xf32> to vector<16xf32>
      %get3A_341 = arith.index_cast %add3A_305 : i32 to index
      %get3A_342 = arith.constant 112 : index
      %get3A_343 = tpu.vector_load %arg7[%get3A_341, %get3A_342] {strides = array<i32>} : memref<200x128xf32, #tpu.memory_space<vmem>>, vector<1x16xf32>,
      %get3A_344 = vector.shape_cast %get3A_343 : vector<1x16xf32> to vector<16xf32>
      %scan3A_345 = arith.constant 0 : i32
      %scan3A_346 = arith.constant 0 : i32
      %scan3A_347 = arith.constant 128 : i32
      %scan3A_348 = arith.addi %scan3A_346, %scan3A_347 : i32
      %scan3A_349 = arith.constant 1 : i32
      scf.for %scan3A_589 = %scan3A_346 to %scan3A_348 step %scan3A_349  : i32 {
        %swap3A = arith.index_cast %scan3A_589 : i32 to index
        %swap3A_590 = arith.constant 0 : index
        %swap3A_591 = tpu.vector_load %arg8[%swap3A, %swap3A_590] {strides = array<i32>} : memref<128x128xf32, #tpu.memory_space<vmem>>, vector<1x16xf32>,
        %swap3A_592 = vector.shape_cast %swap3A_591 : vector<1x16xf32> to vector<16xf32>
        %swap3A_593 = vector.shape_cast %get3A_316 : vector<16xf32> to vector<1x16xf32>
        tpu.vector_store %arg8[%swap3A, %swap3A_590], %swap3A_593 {strides = array<i32>} : memref<128x128xf32, #tpu.memory_space<vmem>>, vector<1x16xf32>,
        %swap3A_594 = arith.index_cast %scan3A_589 : i32 to index
        %swap3A_595 = arith.constant 16 : index
        %swap3A_596 = tpu.vector_load %arg8[%swap3A_594, %swap3A_595] {strides = array<i32>} : memref<128x128xf32, #tpu.memory_space<vmem>>, vector<1x16xf32>,
        %swap3A_597 = vector.shape_cast %swap3A_596 : vector<1x16xf32> to vector<16xf32>
        %swap3A_598 = vector.shape_cast %get3A_320 : vector<16xf32> to vector<1x16xf32>
        tpu.vector_store %arg8[%swap3A_594, %swap3A_595], %swap3A_598 {strides = array<i32>} : memref<128x128xf32, #tpu.memory_space<vmem>>, vector<1x16xf32>,
        %swap3A_599 = arith.index_cast %scan3A_589 : i32 to index
        %swap3A_600 = arith.constant 32 : index
        %swap3A_601 = tpu.vector_load %arg8[%swap3A_599, %swap3A_600] {strides = array<i32>} : memref<128x128xf32, #tpu.memory_space<vmem>>, vector<1x16xf32>,
        %swap3A_602 = vector.shape_cast %swap3A_601 : vector<1x16xf32> to vector<16xf32>
        %swap3A_603 = vector.shape_cast %get3A_324 : vector<16xf32> to vector<1x16xf32>
        tpu.vector_store %arg8[%swap3A_599, %swap3A_600], %swap3A_603 {strides = array<i32>} : memref<128x128xf32, #tpu.memory_space<vmem>>, vector<1x16xf32>,
        %swap3A_604 = arith.index_cast %scan3A_589 : i32 to index
        %swap3A_605 = arith.constant 48 : index
        %swap3A_606 = tpu.vector_load %arg8[%swap3A_604, %swap3A_605] {strides = array<i32>} : memref<128x128xf32, #tpu.memory_space<vmem>>, vector<1x16xf32>,
        %swap3A_607 = vector.shape_cast %swap3A_606 : vector<1x16xf32> to vector<16xf32>
        %swap3A_608 = vector.shape_cast %get3A_328 : vector<16xf32> to vector<1x16xf32>
        tpu.vector_store %arg8[%swap3A_604, %swap3A_605], %swap3A_608 {strides = array<i32>} : memref<128x128xf32, #tpu.memory_space<vmem>>, vector<1x16xf32>,
        %swap3A_609 = arith.index_cast %scan3A_589 : i32 to index
        %swap3A_610 = arith.constant 64 : index
        %swap3A_611 = tpu.vector_load %arg8[%swap3A_609, %swap3A_610] {strides = array<i32>} : memref<128x128xf32, #tpu.memory_space<vmem>>, vector<1x16xf32>,
        %swap3A_612 = vector.shape_cast %swap3A_611 : vector<1x16xf32> to vector<16xf32>
        %swap3A_613 = vector.shape_cast %get3A_332 : vector<16xf32> to vector<1x16xf32>
        tpu.vector_store %arg8[%swap3A_609, %swap3A_610], %swap3A_613 {strides = array<i32>} : memref<128x128xf32, #tpu.memory_space<vmem>>, vector<1x16xf32>,
        %swap3A_614 = arith.index_cast %scan3A_589 : i32 to index
        %swap3A_615 = arith.constant 80 : index
        %swap3A_616 = tpu.vector_load %arg8[%swap3A_614, %swap3A_615] {strides = array<i32>} : memref<128x128xf32, #tpu.memory_space<vmem>>, vector<1x16xf32>,
        %swap3A_617 = vector.shape_cast %swap3A_616 : vector<1x16xf32> to vector<16xf32>
        %swap3A_618 = vector.shape_cast %get3A_336 : vector<16xf32> to vector<1x16xf32>
        tpu.vector_store %arg8[%swap3A_614, %swap3A_615], %swap3A_618 {strides = array<i32>} : memref<128x128xf32, #tpu.memory_space<vmem>>, vector<1x16xf32>,
        %swap3A_619 = arith.index_cast %scan3A_589 : i32 to index
        %swap3A_620 = arith.constant 96 : index
        %swap3A_621 = tpu.vector_load %arg8[%swap3A_619, %swap3A_620] {strides = array<i32>} : memref<128x128xf32, #tpu.memory_space<vmem>>, vector<1x16xf32>,
        %swap3A_622 = vector.shape_cast %swap3A_621 : vector<1x16xf32> to vector<16xf32>
        %swap3A_623 = vector.shape_cast %get3A_340 : vector<16xf32> to vector<1x16xf32>
        tpu.vector_store %arg8[%swap3A_619, %swap3A_620], %swap3A_623 {strides = array<i32>} : memref<128x128xf32, #tpu.memory_space<vmem>>, vector<1x16xf32>,
        %swap3A_624 = arith.index_cast %scan3A_589 : i32 to index
        %swap3A_625 = arith.constant 112 : index
        %swap3A_626 = tpu.vector_load %arg8[%swap3A_624, %swap3A_625] {strides = array<i32>} : memref<128x128xf32, #tpu.memory_space<vmem>>, vector<1x16xf32>,
        %swap3A_627 = vector.shape_cast %swap3A_626 : vector<1x16xf32> to vector<16xf32>
        %swap3A_628 = vector.shape_cast %get3A_344 : vector<16xf32> to vector<1x16xf32>
        tpu.vector_store %arg8[%swap3A_624, %swap3A_625], %swap3A_628 {strides = array<i32>} : memref<128x128xf32, #tpu.memory_space<vmem>>, vector<1x16xf32>,
      }
      %scan3A_350 = arith.constant 128 : i32
      %dma_start3A_351 = arith.constant 0 : i32
      %dma_start3A_352 = tpu.memref_slice %arg6[%add3A_305, %dma_start3A_351] : memref<200x128xi32, #tpu.memory_space<vmem>> -> memref<1x128xi32, #tpu.memory_space<vmem>>
      %dma_start3A_353 = tpu.memref_squeeze %dma_start3A_352 : memref<1x128xi32, #tpu.memory_space<vmem>> -> memref<128xi32, #tpu.memory_space<vmem>>
      %dma_start3A_354 = arith.constant 0 : i32
      %dma_start3A_355 = arith.constant 0 : i32
      %dma_start3A_356 = tpu.memref_slice %arg3[%dma_start3A_354, %dma_start3A_355] : memref<100000x128xf32, #tpu.memory_space<hbm>> -> memref<100000x128xf32, #tpu.memory_space<hbm>>
      tpu.enqueue_indirect_dma source(%dma_start3A_356 : memref<100000x128xf32, #tpu.memory_space<hbm>>) target(%arg8 : memref<128x128xf32, #tpu.memory_space<vmem>>) offsets(%dma_start3A_353 : memref<128xi32, #tpu.memory_space<vmem>>) semaphore(%arg12 : memref<!tpu.dma_semaphore, #tpu.memory_space<semaphore_mem>>) {add = true}
      %sub3A_357 = arith.constant 2 : i32
      %sub3A_358 = arith.subi %add3A_305, %sub3A_357 : i32
      %dma_wait3A_359 = arith.constant 0 : i32
      %dma_wait3A_360 = tpu.memref_slice %arg6[%sub3A_358, %dma_wait3A_359] : memref<200x128xi32, #tpu.memory_space<vmem>> -> memref<1x128xi32, #tpu.memory_space<vmem>>
      %dma_wait3A_361 = tpu.memref_squeeze %dma_wait3A_360 : memref<1x128xi32, #tpu.memory_space<vmem>> -> memref<128xi32, #tpu.memory_space<vmem>>
      %dma_wait3A_362 = arith.constant 0 : i32
      %dma_wait3A_363 = arith.constant 0 : i32
      %dma_wait3A_364 = tpu.memref_slice %arg3[%dma_wait3A_362, %dma_wait3A_363] : memref<100000x128xf32, #tpu.memory_space<hbm>> -> memref<100000x128xf32, #tpu.memory_space<hbm>>
      tpu.wait_indirect_dma semaphore(%arg14 : memref<!tpu.dma_semaphore, #tpu.memory_space<semaphore_mem>>) src(%dma_wait3A_364 : memref<100000x128xf32, #tpu.memory_space<hbm>>) dst(%arg10 : memref<128x128xf32, #tpu.memory_space<vmem>>)
      %sub3A_365 = arith.constant 2 : i32
      %sub3A_366 = arith.subi %add3A_305, %sub3A_365 : i32
      %dma_start3A_367 = arith.constant 0 : i32
      %dma_start3A_368 = tpu.memref_slice %arg5[%mul3A_2, %sub3A_366, %dma_start3A_367] : memref<4096x200x128xf32, #tpu.memory_space<hbm>> -> memref<128x1x128xf32, #tpu.memory_space<hbm>>
      %dma_start3A_369 = tpu.memref_squeeze %dma_start3A_368 : memref<128x1x128xf32, #tpu.memory_space<hbm>> -> memref<128x128xf32, #tpu.memory_space<hbm>>
      %dma_start3A_370 = arith.constant 0 : i32
      %dma_start3A_371 = tpu.memref_slice %arg5[%mul3A_2, %sub3A_366, %dma_start3A_370] : memref<4096x200x128xf32, #tpu.memory_space<hbm>> -> memref<128x1x128xf32, #tpu.memory_space<hbm>>
      %dma_start3A_372 = tpu.memref_squeeze %dma_start3A_371 : memref<128x1x128xf32, #tpu.memory_space<hbm>> -> memref<128x128xf32, #tpu.memory_space<hbm>>
      tpu.enqueue_dma source(%arg10 : memref<128x128xf32, #tpu.memory_space<vmem>>) target(%dma_start3A_372 : memref<128x128xf32, #tpu.memory_space<hbm>>) target_semaphore(%arg18 : memref<!tpu.dma_semaphore, #tpu.memory_space<semaphore_mem>>)
      %mul3A_373 = arith.constant 4 : i32
      %mul3A_374 = arith.muli %mul3A_373, %scan3A_301 : i32
      %add3A_375 = arith.constant 1 : i32
      %add3A_376 = arith.addi %mul3A_374, %add3A_375 : i32
      %sub3A_377 = arith.constant 4 : i32
      %sub3A_378 = arith.subi %add3A_376, %sub3A_377 : i32
      %dma_wait3A_379 = arith.constant 0 : i32
      %dma_wait3A_380 = tpu.memref_slice %arg5[%mul3A_2, %sub3A_378, %dma_wait3A_379] : memref<4096x200x128xf32, #tpu.memory_space<hbm>> -> memref<128x1x128xf32, #tpu.memory_space<hbm>>
      %dma_wait3A_381 = tpu.memref_squeeze %dma_wait3A_380 : memref<128x1x128xf32, #tpu.memory_space<hbm>> -> memref<128x128xf32, #tpu.memory_space<hbm>>
      %dma_wait3A_382 = arith.constant 0 : i32
      %dma_wait3A_383 = tpu.memref_slice %arg5[%mul3A_2, %sub3A_378, %dma_wait3A_382] : memref<4096x200x128xf32, #tpu.memory_space<hbm>> -> memref<128x1x128xf32, #tpu.memory_space<hbm>>
      %dma_wait3A_384 = tpu.memref_squeeze %dma_wait3A_383 : memref<128x1x128xf32, #tpu.memory_space<hbm>> -> memref<128x128xf32, #tpu.memory_space<hbm>>
      tpu.wait_dma2 semaphore(%arg17 : memref<!tpu.dma_semaphore, #tpu.memory_space<semaphore_mem>>) src(%arg9 : memref<128x128xf32, #tpu.memory_space<vmem>>) dst(%dma_wait3A_384 : memref<128x128xf32, #tpu.memory_space<hbm>>)
      %get3A_385 = arith.index_cast %add3A_376 : i32 to index
      %get3A_386 = arith.constant 0 : index
      %get3A_387 = tpu.vector_load %arg7[%get3A_385, %get3A_386] {strides = array<i32>} : memref<200x128xf32, #tpu.memory_space<vmem>>, vector<1x16xf32>,
      %get3A_388 = vector.shape_cast %get3A_387 : vector<1x16xf32> to vector<16xf32>
      %get3A_389 = arith.index_cast %add3A_376 : i32 to index
      %get3A_390 = arith.constant 16 : index
      %get3A_391 = tpu.vector_load %arg7[%get3A_389, %get3A_390] {strides = array<i32>} : memref<200x128xf32, #tpu.memory_space<vmem>>, vector<1x16xf32>,
      %get3A_392 = vector.shape_cast %get3A_391 : vector<1x16xf32> to vector<16xf32>
      %get3A_393 = arith.index_cast %add3A_376 : i32 to index
      %get3A_394 = arith.constant 32 : index
      %get3A_395 = tpu.vector_load %arg7[%get3A_393, %get3A_394] {strides = array<i32>} : memref<200x128xf32, #tpu.memory_space<vmem>>, vector<1x16xf32>,
      %get3A_396 = vector.shape_cast %get3A_395 : vector<1x16xf32> to vector<16xf32>
      %get3A_397 = arith.index_cast %add3A_376 : i32 to index
      %get3A_398 = arith.constant 48 : index
      %get3A_399 = tpu.vector_load %arg7[%get3A_397, %get3A_398] {strides = array<i32>} : memref<200x128xf32, #tpu.memory_space<vmem>>, vector<1x16xf32>,
      %get3A_400 = vector.shape_cast %get3A_399 : vector<1x16xf32> to vector<16xf32>
      %get3A_401 = arith.index_cast %add3A_376 : i32 to index
      %get3A_402 = arith.constant 64 : index
      %get3A_403 = tpu.vector_load %arg7[%get3A_401, %get3A_402] {strides = array<i32>} : memref<200x128xf32, #tpu.memory_space<vmem>>, vector<1x16xf32>,
      %get3A_404 = vector.shape_cast %get3A_403 : vector<1x16xf32> to vector<16xf32>
      %get3A_405 = arith.index_cast %add3A_376 : i32 to index
      %get3A_406 = arith.constant 80 : index
      %get3A_407 = tpu.vector_load %arg7[%get3A_405, %get3A_406] {strides = array<i32>} : memref<200x128xf32, #tpu.memory_space<vmem>>, vector<1x16xf32>,
      %get3A_408 = vector.shape_cast %get3A_407 : vector<1x16xf32> to vector<16xf32>
      %get3A_409 = arith.index_cast %add3A_376 : i32 to index
      %get3A_410 = arith.constant 96 : index
      %get3A_411 = tpu.vector_load %arg7[%get3A_409, %get3A_410] {strides = array<i32>} : memref<200x128xf32, #tpu.memory_space<vmem>>, vector<1x16xf32>,
      %get3A_412 = vector.shape_cast %get3A_411 : vector<1x16xf32> to vector<16xf32>
      %get3A_413 = arith.index_cast %add3A_376 : i32 to index
      %get3A_414 = arith.constant 112 : index
      %get3A_415 = tpu.vector_load %arg7[%get3A_413, %get3A_414] {strides = array<i32>} : memref<200x128xf32, #tpu.memory_space<vmem>>, vector<1x16xf32>,
      %get3A_416 = vector.shape_cast %get3A_415 : vector<1x16xf32> to vector<16xf32>
      %scan3A_417 = arith.constant 0 : i32
      %scan3A_418 = arith.constant 0 : i32
      %scan3A_419 = arith.constant 128 : i32
      %scan3A_420 = arith.addi %scan3A_418, %scan3A_419 : i32
      %scan3A_421 = arith.constant 1 : i32
      scf.for %scan3A_589 = %scan3A_418 to %scan3A_420 step %scan3A_421  : i32 {
        %swap3A = arith.index_cast %scan3A_589 : i32 to index
        %swap3A_590 = arith.constant 0 : index
        %swap3A_591 = tpu.vector_load %arg9[%swap3A, %swap3A_590] {strides = array<i32>} : memref<128x128xf32, #tpu.memory_space<vmem>>, vector<1x16xf32>,
        %swap3A_592 = vector.shape_cast %swap3A_591 : vector<1x16xf32> to vector<16xf32>
        %swap3A_593 = vector.shape_cast %get3A_388 : vector<16xf32> to vector<1x16xf32>
        tpu.vector_store %arg9[%swap3A, %swap3A_590], %swap3A_593 {strides = array<i32>} : memref<128x128xf32, #tpu.memory_space<vmem>>, vector<1x16xf32>,
        %swap3A_594 = arith.index_cast %scan3A_589 : i32 to index
        %swap3A_595 = arith.constant 16 : index
        %swap3A_596 = tpu.vector_load %arg9[%swap3A_594, %swap3A_595] {strides = array<i32>} : memref<128x128xf32, #tpu.memory_space<vmem>>, vector<1x16xf32>,
        %swap3A_597 = vector.shape_cast %swap3A_596 : vector<1x16xf32> to vector<16xf32>
        %swap3A_598 = vector.shape_cast %get3A_392 : vector<16xf32> to vector<1x16xf32>
        tpu.vector_store %arg9[%swap3A_594, %swap3A_595], %swap3A_598 {strides = array<i32>} : memref<128x128xf32, #tpu.memory_space<vmem>>, vector<1x16xf32>,
        %swap3A_599 = arith.index_cast %scan3A_589 : i32 to index
        %swap3A_600 = arith.constant 32 : index
        %swap3A_601 = tpu.vector_load %arg9[%swap3A_599, %swap3A_600] {strides = array<i32>} : memref<128x128xf32, #tpu.memory_space<vmem>>, vector<1x16xf32>,
        %swap3A_602 = vector.shape_cast %swap3A_601 : vector<1x16xf32> to vector<16xf32>
        %swap3A_603 = vector.shape_cast %get3A_396 : vector<16xf32> to vector<1x16xf32>
        tpu.vector_store %arg9[%swap3A_599, %swap3A_600], %swap3A_603 {strides = array<i32>} : memref<128x128xf32, #tpu.memory_space<vmem>>, vector<1x16xf32>,
        %swap3A_604 = arith.index_cast %scan3A_589 : i32 to index
        %swap3A_605 = arith.constant 48 : index
        %swap3A_606 = tpu.vector_load %arg9[%swap3A_604, %swap3A_605] {strides = array<i32>} : memref<128x128xf32, #tpu.memory_space<vmem>>, vector<1x16xf32>,
        %swap3A_607 = vector.shape_cast %swap3A_606 : vector<1x16xf32> to vector<16xf32>
        %swap3A_608 = vector.shape_cast %get3A_400 : vector<16xf32> to vector<1x16xf32>
        tpu.vector_store %arg9[%swap3A_604, %swap3A_605], %swap3A_608 {strides = array<i32>} : memref<128x128xf32, #tpu.memory_space<vmem>>, vector<1x16xf32>,
        %swap3A_609 = arith.index_cast %scan3A_589 : i32 to index
        %swap3A_610 = arith.constant 64 : index
        %swap3A_611 = tpu.vector_load %arg9[%swap3A_609, %swap3A_610] {strides = array<i32>} : memref<128x128xf32, #tpu.memory_space<vmem>>, vector<1x16xf32>,
        %swap3A_612 = vector.shape_cast %swap3A_611 : vector<1x16xf32> to vector<16xf32>
        %swap3A_613 = vector.shape_cast %get3A_404 : vector<16xf32> to vector<1x16xf32>
        tpu.vector_store %arg9[%swap3A_609, %swap3A_610], %swap3A_613 {strides = array<i32>} : memref<128x128xf32, #tpu.memory_space<vmem>>, vector<1x16xf32>,
        %swap3A_614 = arith.index_cast %scan3A_589 : i32 to index
        %swap3A_615 = arith.constant 80 : index
        %swap3A_616 = tpu.vector_load %arg9[%swap3A_614, %swap3A_615] {strides = array<i32>} : memref<128x128xf32, #tpu.memory_space<vmem>>, vector<1x16xf32>,
        %swap3A_617 = vector.shape_cast %swap3A_616 : vector<1x16xf32> to vector<16xf32>
        %swap3A_618 = vector.shape_cast %get3A_408 : vector<16xf32> to vector<1x16xf32>
        tpu.vector_store %arg9[%swap3A_614, %swap3A_615], %swap3A_618 {strides = array<i32>} : memref<128x128xf32, #tpu.memory_space<vmem>>, vector<1x16xf32>,
        %swap3A_619 = arith.index_cast %scan3A_589 : i32 to index
        %swap3A_620 = arith.constant 96 : index
        %swap3A_621 = tpu.vector_load %arg9[%swap3A_619, %swap3A_620] {strides = array<i32>} : memref<128x128xf32, #tpu.memory_space<vmem>>, vector<1x16xf32>,
        %swap3A_622 = vector.shape_cast %swap3A_621 : vector<1x16xf32> to vector<16xf32>
        %swap3A_623 = vector.shape_cast %get3A_412 : vector<16xf32> to vector<1x16xf32>
        tpu.vector_store %arg9[%swap3A_619, %swap3A_620], %swap3A_623 {strides = array<i32>} : memref<128x128xf32, #tpu.memory_space<vmem>>, vector<1x16xf32>,
        %swap3A_624 = arith.index_cast %scan3A_589 : i32 to index
        %swap3A_625 = arith.constant 112 : index
        %swap3A_626 = tpu.vector_load %arg9[%swap3A_624, %swap3A_625] {strides = array<i32>} : memref<128x128xf32, #tpu.memory_space<vmem>>, vector<1x16xf32>,
        %swap3A_627 = vector.shape_cast %swap3A_626 : vector<1x16xf32> to vector<16xf32>
        %swap3A_628 = vector.shape_cast %get3A_416 : vector<16xf32> to vector<1x16xf32>
        tpu.vector_store %arg9[%swap3A_624, %swap3A_625], %swap3A_628 {strides = array<i32>} : memref<128x128xf32, #tpu.memory_space<vmem>>, vector<1x16xf32>,
      }
      %scan3A_422 = arith.constant 128 : i32
      %dma_start3A_423 = arith.constant 0 : i32
      %dma_start3A_424 = tpu.memref_slice %arg6[%add3A_376, %dma_start3A_423] : memref<200x128xi32, #tpu.memory_space<vmem>> -> memref<1x128xi32, #tpu.memory_space<vmem>>
      %dma_start3A_425 = tpu.memref_squeeze %dma_start3A_424 : memref<1x128xi32, #tpu.memory_space<vmem>> -> memref<128xi32, #tpu.memory_space<vmem>>
      %dma_start3A_426 = arith.constant 0 : i32
      %dma_start3A_427 = arith.constant 0 : i32
      %dma_start3A_428 = tpu.memref_slice %arg3[%dma_start3A_426, %dma_start3A_427] : memref<100000x128xf32, #tpu.memory_space<hbm>> -> memref<100000x128xf32, #tpu.memory_space<hbm>>
      tpu.enqueue_indirect_dma source(%dma_start3A_428 : memref<100000x128xf32, #tpu.memory_space<hbm>>) target(%arg9 : memref<128x128xf32, #tpu.memory_space<vmem>>) offsets(%dma_start3A_425 : memref<128xi32, #tpu.memory_space<vmem>>) semaphore(%arg13 : memref<!tpu.dma_semaphore, #tpu.memory_space<semaphore_mem>>) {add = true}
      %sub3A_429 = arith.constant 2 : i32
      %sub3A_430 = arith.subi %add3A_376, %sub3A_429 : i32
      %dma_wait3A_431 = arith.constant 0 : i32
      %dma_wait3A_432 = tpu.memref_slice %arg6[%sub3A_430, %dma_wait3A_431] : memref<200x128xi32, #tpu.memory_space<vmem>> -> memref<1x128xi32, #tpu.memory_space<vmem>>
      %dma_wait3A_433 = tpu.memref_squeeze %dma_wait3A_432 : memref<1x128xi32, #tpu.memory_space<vmem>> -> memref<128xi32, #tpu.memory_space<vmem>>
      %dma_wait3A_434 = arith.constant 0 : i32
      %dma_wait3A_435 = arith.constant 0 : i32
      %dma_wait3A_436 = tpu.memref_slice %arg3[%dma_wait3A_434, %dma_wait3A_435] : memref<100000x128xf32, #tpu.memory_space<hbm>> -> memref<100000x128xf32, #tpu.memory_space<hbm>>
      tpu.wait_indirect_dma semaphore(%arg15 : memref<!tpu.dma_semaphore, #tpu.memory_space<semaphore_mem>>) src(%dma_wait3A_436 : memref<100000x128xf32, #tpu.memory_space<hbm>>) dst(%arg11 : memref<128x128xf32, #tpu.memory_space<vmem>>)
      %sub3A_437 = arith.constant 2 : i32
      %sub3A_438 = arith.subi %add3A_376, %sub3A_437 : i32
      %dma_start3A_439 = arith.constant 0 : i32
      %dma_start3A_440 = tpu.memref_slice %arg5[%mul3A_2, %sub3A_438, %dma_start3A_439] : memref<4096x200x128xf32, #tpu.memory_space<hbm>> -> memref<128x1x128xf32, #tpu.memory_space<hbm>>
      %dma_start3A_441 = tpu.memref_squeeze %dma_start3A_440 : memref<128x1x128xf32, #tpu.memory_space<hbm>> -> memref<128x128xf32, #tpu.memory_space<hbm>>
      %dma_start3A_442 = arith.constant 0 : i32
      %dma_start3A_443 = tpu.memref_slice %arg5[%mul3A_2, %sub3A_438, %dma_start3A_442] : memref<4096x200x128xf32, #tpu.memory_space<hbm>> -> memref<128x1x128xf32, #tpu.memory_space<hbm>>
      %dma_start3A_444 = tpu.memref_squeeze %dma_start3A_443 : memref<128x1x128xf32, #tpu.memory_space<hbm>> -> memref<128x128xf32, #tpu.memory_space<hbm>>
      tpu.enqueue_dma source(%arg11 : memref<128x128xf32, #tpu.memory_space<vmem>>) target(%dma_start3A_444 : memref<128x128xf32, #tpu.memory_space<hbm>>) target_semaphore(%arg19 : memref<!tpu.dma_semaphore, #tpu.memory_space<semaphore_mem>>)
      %mul3A_445 = arith.constant 4 : i32
      %mul3A_446 = arith.muli %mul3A_445, %scan3A_301 : i32
      %add3A_447 = arith.constant 2 : i32
      %add3A_448 = arith.addi %mul3A_446, %add3A_447 : i32
      %sub3A_449 = arith.constant 4 : i32
      %sub3A_450 = arith.subi %add3A_448, %sub3A_449 : i32
      %dma_wait3A_451 = arith.constant 0 : i32
      %dma_wait3A_452 = tpu.memref_slice %arg5[%mul3A_2, %sub3A_450, %dma_wait3A_451] : memref<4096x200x128xf32, #tpu.memory_space<hbm>> -> memref<128x1x128xf32, #tpu.memory_space<hbm>>
      %dma_wait3A_453 = tpu.memref_squeeze %dma_wait3A_452 : memref<128x1x128xf32, #tpu.memory_space<hbm>> -> memref<128x128xf32, #tpu.memory_space<hbm>>
      %dma_wait3A_454 = arith.constant 0 : i32
      %dma_wait3A_455 = tpu.memref_slice %arg5[%mul3A_2, %sub3A_450, %dma_wait3A_454] : memref<4096x200x128xf32, #tpu.memory_space<hbm>> -> memref<128x1x128xf32, #tpu.memory_space<hbm>>
      %dma_wait3A_456 = tpu.memref_squeeze %dma_wait3A_455 : memref<128x1x128xf32, #tpu.memory_space<hbm>> -> memref<128x128xf32, #tpu.memory_space<hbm>>
      tpu.wait_dma2 semaphore(%arg18 : memref<!tpu.dma_semaphore, #tpu.memory_space<semaphore_mem>>) src(%arg10 : memref<128x128xf32, #tpu.memory_space<vmem>>) dst(%dma_wait3A_456 : memref<128x128xf32, #tpu.memory_space<hbm>>)
      %get3A_457 = arith.index_cast %add3A_448 : i32 to index
      %get3A_458 = arith.constant 0 : index
      %get3A_459 = tpu.vector_load %arg7[%get3A_457, %get3A_458] {strides = array<i32>} : memref<200x128xf32, #tpu.memory_space<vmem>>, vector<1x16xf32>,
      %get3A_460 = vector.shape_cast %get3A_459 : vector<1x16xf32> to vector<16xf32>
      %get3A_461 = arith.index_cast %add3A_448 : i32 to index
      %get3A_462 = arith.constant 16 : index
      %get3A_463 = tpu.vector_load %arg7[%get3A_461, %get3A_462] {strides = array<i32>} : memref<200x128xf32, #tpu.memory_space<vmem>>, vector<1x16xf32>,
      %get3A_464 = vector.shape_cast %get3A_463 : vector<1x16xf32> to vector<16xf32>
      %get3A_465 = arith.index_cast %add3A_448 : i32 to index
      %get3A_466 = arith.constant 32 : index
      %get3A_467 = tpu.vector_load %arg7[%get3A_465, %get3A_466] {strides = array<i32>} : memref<200x128xf32, #tpu.memory_space<vmem>>, vector<1x16xf32>,
      %get3A_468 = vector.shape_cast %get3A_467 : vector<1x16xf32> to vector<16xf32>
      %get3A_469 = arith.index_cast %add3A_448 : i32 to index
      %get3A_470 = arith.constant 48 : index
      %get3A_471 = tpu.vector_load %arg7[%get3A_469, %get3A_470] {strides = array<i32>} : memref<200x128xf32, #tpu.memory_space<vmem>>, vector<1x16xf32>,
      %get3A_472 = vector.shape_cast %get3A_471 : vector<1x16xf32> to vector<16xf32>
      %get3A_473 = arith.index_cast %add3A_448 : i32 to index
      %get3A_474 = arith.constant 64 : index
      %get3A_475 = tpu.vector_load %arg7[%get3A_473, %get3A_474] {strides = array<i32>} : memref<200x128xf32, #tpu.memory_space<vmem>>, vector<1x16xf32>,
      %get3A_476 = vector.shape_cast %get3A_475 : vector<1x16xf32> to vector<16xf32>
      %get3A_477 = arith.index_cast %add3A_448 : i32 to index
      %get3A_478 = arith.constant 80 : index
      %get3A_479 = tpu.vector_load %arg7[%get3A_477, %get3A_478] {strides = array<i32>} : memref<200x128xf32, #tpu.memory_space<vmem>>, vector<1x16xf32>,
      %get3A_480 = vector.shape_cast %get3A_479 : vector<1x16xf32> to vector<16xf32>
      %get3A_481 = arith.index_cast %add3A_448 : i32 to index
      %get3A_482 = arith.constant 96 : index
      %get3A_483 = tpu.vector_load %arg7[%get3A_481, %get3A_482] {strides = array<i32>} : memref<200x128xf32, #tpu.memory_space<vmem>>, vector<1x16xf32>,
      %get3A_484 = vector.shape_cast %get3A_483 : vector<1x16xf32> to vector<16xf32>
      %get3A_485 = arith.index_cast %add3A_448 : i32 to index
      %get3A_486 = arith.constant 112 : index
      %get3A_487 = tpu.vector_load %arg7[%get3A_485, %get3A_486] {strides = array<i32>} : memref<200x128xf32, #tpu.memory_space<vmem>>, vector<1x16xf32>,
      %get3A_488 = vector.shape_cast %get3A_487 : vector<1x16xf32> to vector<16xf32>
      %scan3A_489 = arith.constant 0 : i32
      %scan3A_490 = arith.constant 0 : i32
      %scan3A_491 = arith.constant 128 : i32
      %scan3A_492 = arith.addi %scan3A_490, %scan3A_491 : i32
      %scan3A_493 = arith.constant 1 : i32
      scf.for %scan3A_589 = %scan3A_490 to %scan3A_492 step %scan3A_493  : i32 {
        %swap3A = arith.index_cast %scan3A_589 : i32 to index
        %swap3A_590 = arith.constant 0 : index
        %swap3A_591 = tpu.vector_load %arg10[%swap3A, %swap3A_590] {strides = array<i32>} : memref<128x128xf32, #tpu.memory_space<vmem>>, vector<1x16xf32>,
        %swap3A_592 = vector.shape_cast %swap3A_591 : vector<1x16xf32> to vector<16xf32>
        %swap3A_593 = vector.shape_cast %get3A_460 : vector<16xf32> to vector<1x16xf32>
        tpu.vector_store %arg10[%swap3A, %swap3A_590], %swap3A_593 {strides = array<i32>} : memref<128x128xf32, #tpu.memory_space<vmem>>, vector<1x16xf32>,
        %swap3A_594 = arith.index_cast %scan3A_589 : i32 to index
        %swap3A_595 = arith.constant 16 : index
        %swap3A_596 = tpu.vector_load %arg10[%swap3A_594, %swap3A_595] {strides = array<i32>} : memref<128x128xf32, #tpu.memory_space<vmem>>, vector<1x16xf32>,
        %swap3A_597 = vector.shape_cast %swap3A_596 : vector<1x16xf32> to vector<16xf32>
        %swap3A_598 = vector.shape_cast %get3A_464 : vector<16xf32> to vector<1x16xf32>
        tpu.vector_store %arg10[%swap3A_594, %swap3A_595], %swap3A_598 {strides = array<i32>} : memref<128x128xf32, #tpu.memory_space<vmem>>, vector<1x16xf32>,
        %swap3A_599 = arith.index_cast %scan3A_589 : i32 to index
        %swap3A_600 = arith.constant 32 : index
        %swap3A_601 = tpu.vector_load %arg10[%swap3A_599, %swap3A_600] {strides = array<i32>} : memref<128x128xf32, #tpu.memory_space<vmem>>, vector<1x16xf32>,
        %swap3A_602 = vector.shape_cast %swap3A_601 : vector<1x16xf32> to vector<16xf32>
        %swap3A_603 = vector.shape_cast %get3A_468 : vector<16xf32> to vector<1x16xf32>
        tpu.vector_store %arg10[%swap3A_599, %swap3A_600], %swap3A_603 {strides = array<i32>} : memref<128x128xf32, #tpu.memory_space<vmem>>, vector<1x16xf32>,
        %swap3A_604 = arith.index_cast %scan3A_589 : i32 to index
        %swap3A_605 = arith.constant 48 : index
        %swap3A_606 = tpu.vector_load %arg10[%swap3A_604, %swap3A_605] {strides = array<i32>} : memref<128x128xf32, #tpu.memory_space<vmem>>, vector<1x16xf32>,
        %swap3A_607 = vector.shape_cast %swap3A_606 : vector<1x16xf32> to vector<16xf32>
        %swap3A_608 = vector.shape_cast %get3A_472 : vector<16xf32> to vector<1x16xf32>
        tpu.vector_store %arg10[%swap3A_604, %swap3A_605], %swap3A_608 {strides = array<i32>} : memref<128x128xf32, #tpu.memory_space<vmem>>, vector<1x16xf32>,
        %swap3A_609 = arith.index_cast %scan3A_589 : i32 to index
        %swap3A_610 = arith.constant 64 : index
        %swap3A_611 = tpu.vector_load %arg10[%swap3A_609, %swap3A_610] {strides = array<i32>} : memref<128x128xf32, #tpu.memory_space<vmem>>, vector<1x16xf32>,
        %swap3A_612 = vector.shape_cast %swap3A_611 : vector<1x16xf32> to vector<16xf32>
        %swap3A_613 = vector.shape_cast %get3A_476 : vector<16xf32> to vector<1x16xf32>
        tpu.vector_store %arg10[%swap3A_609, %swap3A_610], %swap3A_613 {strides = array<i32>} : memref<128x128xf32, #tpu.memory_space<vmem>>, vector<1x16xf32>,
        %swap3A_614 = arith.index_cast %scan3A_589 : i32 to index
        %swap3A_615 = arith.constant 80 : index
        %swap3A_616 = tpu.vector_load %arg10[%swap3A_614, %swap3A_615] {strides = array<i32>} : memref<128x128xf32, #tpu.memory_space<vmem>>, vector<1x16xf32>,
        %swap3A_617 = vector.shape_cast %swap3A_616 : vector<1x16xf32> to vector<16xf32>
        %swap3A_618 = vector.shape_cast %get3A_480 : vector<16xf32> to vector<1x16xf32>
        tpu.vector_store %arg10[%swap3A_614, %swap3A_615], %swap3A_618 {strides = array<i32>} : memref<128x128xf32, #tpu.memory_space<vmem>>, vector<1x16xf32>,
        %swap3A_619 = arith.index_cast %scan3A_589 : i32 to index
        %swap3A_620 = arith.constant 96 : index
        %swap3A_621 = tpu.vector_load %arg10[%swap3A_619, %swap3A_620] {strides = array<i32>} : memref<128x128xf32, #tpu.memory_space<vmem>>, vector<1x16xf32>,
        %swap3A_622 = vector.shape_cast %swap3A_621 : vector<1x16xf32> to vector<16xf32>
        %swap3A_623 = vector.shape_cast %get3A_484 : vector<16xf32> to vector<1x16xf32>
        tpu.vector_store %arg10[%swap3A_619, %swap3A_620], %swap3A_623 {strides = array<i32>} : memref<128x128xf32, #tpu.memory_space<vmem>>, vector<1x16xf32>,
        %swap3A_624 = arith.index_cast %scan3A_589 : i32 to index
        %swap3A_625 = arith.constant 112 : index
        %swap3A_626 = tpu.vector_load %arg10[%swap3A_624, %swap3A_625] {strides = array<i32>} : memref<128x128xf32, #tpu.memory_space<vmem>>, vector<1x16xf32>,
        %swap3A_627 = vector.shape_cast %swap3A_626 : vector<1x16xf32> to vector<16xf32>
        %swap3A_628 = vector.shape_cast %get3A_488 : vector<16xf32> to vector<1x16xf32>
        tpu.vector_store %arg10[%swap3A_624, %swap3A_625], %swap3A_628 {strides = array<i32>} : memref<128x128xf32, #tpu.memory_space<vmem>>, vector<1x16xf32>,
      }
      %scan3A_494 = arith.constant 128 : i32
      %dma_start3A_495 = arith.constant 0 : i32
      %dma_start3A_496 = tpu.memref_slice %arg6[%add3A_448, %dma_start3A_495] : memref<200x128xi32, #tpu.memory_space<vmem>> -> memref<1x128xi32, #tpu.memory_space<vmem>>
      %dma_start3A_497 = tpu.memref_squeeze %dma_start3A_496 : memref<1x128xi32, #tpu.memory_space<vmem>> -> memref<128xi32, #tpu.memory_space<vmem>>
      %dma_start3A_498 = arith.constant 0 : i32
      %dma_start3A_499 = arith.constant 0 : i32
      %dma_start3A_500 = tpu.memref_slice %arg3[%dma_start3A_498, %dma_start3A_499] : memref<100000x128xf32, #tpu.memory_space<hbm>> -> memref<100000x128xf32, #tpu.memory_space<hbm>>
      tpu.enqueue_indirect_dma source(%dma_start3A_500 : memref<100000x128xf32, #tpu.memory_space<hbm>>) target(%arg10 : memref<128x128xf32, #tpu.memory_space<vmem>>) offsets(%dma_start3A_497 : memref<128xi32, #tpu.memory_space<vmem>>) semaphore(%arg14 : memref<!tpu.dma_semaphore, #tpu.memory_space<semaphore_mem>>) {add = true}
      %sub3A_501 = arith.constant 2 : i32
      %sub3A_502 = arith.subi %add3A_448, %sub3A_501 : i32
      %dma_wait3A_503 = arith.constant 0 : i32
      %dma_wait3A_504 = tpu.memref_slice %arg6[%sub3A_502, %dma_wait3A_503] : memref<200x128xi32, #tpu.memory_space<vmem>> -> memref<1x128xi32, #tpu.memory_space<vmem>>
      %dma_wait3A_505 = tpu.memref_squeeze %dma_wait3A_504 : memref<1x128xi32, #tpu.memory_space<vmem>> -> memref<128xi32, #tpu.memory_space<vmem>>
      %dma_wait3A_506 = arith.constant 0 : i32
      %dma_wait3A_507 = arith.constant 0 : i32
      %dma_wait3A_508 = tpu.memref_slice %arg3[%dma_wait3A_506, %dma_wait3A_507] : memref<100000x128xf32, #tpu.memory_space<hbm>> -> memref<100000x128xf32, #tpu.memory_space<hbm>>
      tpu.wait_indirect_dma semaphore(%arg12 : memref<!tpu.dma_semaphore, #tpu.memory_space<semaphore_mem>>) src(%dma_wait3A_508 : memref<100000x128xf32, #tpu.memory_space<hbm>>) dst(%arg8 : memref<128x128xf32, #tpu.memory_space<vmem>>)
      %sub3A_509 = arith.constant 2 : i32
      %sub3A_510 = arith.subi %add3A_448, %sub3A_509 : i32
      %dma_start3A_511 = arith.constant 0 : i32
      %dma_start3A_512 = tpu.memref_slice %arg5[%mul3A_2, %sub3A_510, %dma_start3A_511] : memref<4096x200x128xf32, #tpu.memory_space<hbm>> -> memref<128x1x128xf32, #tpu.memory_space<hbm>>
      %dma_start3A_513 = tpu.memref_squeeze %dma_start3A_512 : memref<128x1x128xf32, #tpu.memory_space<hbm>> -> memref<128x128xf32, #tpu.memory_space<hbm>>
      %dma_start3A_514 = arith.constant 0 : i32
      %dma_start3A_515 = tpu.memref_slice %arg5[%mul3A_2, %sub3A_510, %dma_start3A_514] : memref<4096x200x128xf32, #tpu.memory_space<hbm>> -> memref<128x1x128xf32, #tpu.memory_space<hbm>>
      %dma_start3A_516 = tpu.memref_squeeze %dma_start3A_515 : memref<128x1x128xf32, #tpu.memory_space<hbm>> -> memref<128x128xf32, #tpu.memory_space<hbm>>
      tpu.enqueue_dma source(%arg8 : memref<128x128xf32, #tpu.memory_space<vmem>>) target(%dma_start3A_516 : memref<128x128xf32, #tpu.memory_space<hbm>>) target_semaphore(%arg16 : memref<!tpu.dma_semaphore, #tpu.memory_space<semaphore_mem>>)
      %mul3A_517 = arith.constant 4 : i32
      %mul3A_518 = arith.muli %mul3A_517, %scan3A_301 : i32
      %add3A_519 = arith.constant 3 : i32
      %add3A_520 = arith.addi %mul3A_518, %add3A_519 : i32
      %sub3A_521 = arith.constant 4 : i32
      %sub3A_522 = arith.subi %add3A_520, %sub3A_521 : i32
      %dma_wait3A_523 = arith.constant 0 : i32
      %dma_wait3A_524 = tpu.memref_slice %arg5[%mul3A_2, %sub3A_522, %dma_wait3A_523] : memref<4096x200x128xf32, #tpu.memory_space<hbm>> -> memref<128x1x128xf32, #tpu.memory_space<hbm>>
      %dma_wait3A_525 = tpu.memref_squeeze %dma_wait3A_524 : memref<128x1x128xf32, #tpu.memory_space<hbm>> -> memref<128x128xf32, #tpu.memory_space<hbm>>
      %dma_wait3A_526 = arith.constant 0 : i32
      %dma_wait3A_527 = tpu.memref_slice %arg5[%mul3A_2, %sub3A_522, %dma_wait3A_526] : memref<4096x200x128xf32, #tpu.memory_space<hbm>> -> memref<128x1x128xf32, #tpu.memory_space<hbm>>
      %dma_wait3A_528 = tpu.memref_squeeze %dma_wait3A_527 : memref<128x1x128xf32, #tpu.memory_space<hbm>> -> memref<128x128xf32, #tpu.memory_space<hbm>>
      tpu.wait_dma2 semaphore(%arg19 : memref<!tpu.dma_semaphore, #tpu.memory_space<semaphore_mem>>) src(%arg11 : memref<128x128xf32, #tpu.memory_space<vmem>>) dst(%dma_wait3A_528 : memref<128x128xf32, #tpu.memory_space<hbm>>)
      %get3A_529 = arith.index_cast %add3A_520 : i32 to index
      %get3A_530 = arith.constant 0 : index
      %get3A_531 = tpu.vector_load %arg7[%get3A_529, %get3A_530] {strides = array<i32>} : memref<200x128xf32, #tpu.memory_space<vmem>>, vector<1x16xf32>,
      %get3A_532 = vector.shape_cast %get3A_531 : vector<1x16xf32> to vector<16xf32>
      %get3A_533 = arith.index_cast %add3A_520 : i32 to index
      %get3A_534 = arith.constant 16 : index
      %get3A_535 = tpu.vector_load %arg7[%get3A_533, %get3A_534] {strides = array<i32>} : memref<200x128xf32, #tpu.memory_space<vmem>>, vector<1x16xf32>,
      %get3A_536 = vector.shape_cast %get3A_535 : vector<1x16xf32> to vector<16xf32>
      %get3A_537 = arith.index_cast %add3A_520 : i32 to index
      %get3A_538 = arith.constant 32 : index
      %get3A_539 = tpu.vector_load %arg7[%get3A_537, %get3A_538] {strides = array<i32>} : memref<200x128xf32, #tpu.memory_space<vmem>>, vector<1x16xf32>,
      %get3A_540 = vector.shape_cast %get3A_539 : vector<1x16xf32> to vector<16xf32>
      %get3A_541 = arith.index_cast %add3A_520 : i32 to index
      %get3A_542 = arith.constant 48 : index
      %get3A_543 = tpu.vector_load %arg7[%get3A_541, %get3A_542] {strides = array<i32>} : memref<200x128xf32, #tpu.memory_space<vmem>>, vector<1x16xf32>,
      %get3A_544 = vector.shape_cast %get3A_543 : vector<1x16xf32> to vector<16xf32>
      %get3A_545 = arith.index_cast %add3A_520 : i32 to index
      %get3A_546 = arith.constant 64 : index
      %get3A_547 = tpu.vector_load %arg7[%get3A_545, %get3A_546] {strides = array<i32>} : memref<200x128xf32, #tpu.memory_space<vmem>>, vector<1x16xf32>,
      %get3A_548 = vector.shape_cast %get3A_547 : vector<1x16xf32> to vector<16xf32>
      %get3A_549 = arith.index_cast %add3A_520 : i32 to index
      %get3A_550 = arith.constant 80 : index
      %get3A_551 = tpu.vector_load %arg7[%get3A_549, %get3A_550] {strides = array<i32>} : memref<200x128xf32, #tpu.memory_space<vmem>>, vector<1x16xf32>,
      %get3A_552 = vector.shape_cast %get3A_551 : vector<1x16xf32> to vector<16xf32>
      %get3A_553 = arith.index_cast %add3A_520 : i32 to index
      %get3A_554 = arith.constant 96 : index
      %get3A_555 = tpu.vector_load %arg7[%get3A_553, %get3A_554] {strides = array<i32>} : memref<200x128xf32, #tpu.memory_space<vmem>>, vector<1x16xf32>,
      %get3A_556 = vector.shape_cast %get3A_555 : vector<1x16xf32> to vector<16xf32>
      %get3A_557 = arith.index_cast %add3A_520 : i32 to index
      %get3A_558 = arith.constant 112 : index
      %get3A_559 = tpu.vector_load %arg7[%get3A_557, %get3A_558] {strides = array<i32>} : memref<200x128xf32, #tpu.memory_space<vmem>>, vector<1x16xf32>,
      %get3A_560 = vector.shape_cast %get3A_559 : vector<1x16xf32> to vector<16xf32>
      %scan3A_561 = arith.constant 0 : i32
      %scan3A_562 = arith.constant 0 : i32
      %scan3A_563 = arith.constant 128 : i32
      %scan3A_564 = arith.addi %scan3A_562, %scan3A_563 : i32
      %scan3A_565 = arith.constant 1 : i32
      scf.for %scan3A_589 = %scan3A_562 to %scan3A_564 step %scan3A_565  : i32 {
        %swap3A = arith.index_cast %scan3A_589 : i32 to index
        %swap3A_590 = arith.constant 0 : index
        %swap3A_591 = tpu.vector_load %arg11[%swap3A, %swap3A_590] {strides = array<i32>} : memref<128x128xf32, #tpu.memory_space<vmem>>, vector<1x16xf32>,
        %swap3A_592 = vector.shape_cast %swap3A_591 : vector<1x16xf32> to vector<16xf32>
        %swap3A_593 = vector.shape_cast %get3A_532 : vector<16xf32> to vector<1x16xf32>
        tpu.vector_store %arg11[%swap3A, %swap3A_590], %swap3A_593 {strides = array<i32>} : memref<128x128xf32, #tpu.memory_space<vmem>>, vector<1x16xf32>,
        %swap3A_594 = arith.index_cast %scan3A_589 : i32 to index
        %swap3A_595 = arith.constant 16 : index
        %swap3A_596 = tpu.vector_load %arg11[%swap3A_594, %swap3A_595] {strides = array<i32>} : memref<128x128xf32, #tpu.memory_space<vmem>>, vector<1x16xf32>,
        %swap3A_597 = vector.shape_cast %swap3A_596 : vector<1x16xf32> to vector<16xf32>
        %swap3A_598 = vector.shape_cast %get3A_536 : vector<16xf32> to vector<1x16xf32>
        tpu.vector_store %arg11[%swap3A_594, %swap3A_595], %swap3A_598 {strides = array<i32>} : memref<128x128xf32, #tpu.memory_space<vmem>>, vector<1x16xf32>,
        %swap3A_599 = arith.index_cast %scan3A_589 : i32 to index
        %swap3A_600 = arith.constant 32 : index
        %swap3A_601 = tpu.vector_load %arg11[%swap3A_599, %swap3A_600] {strides = array<i32>} : memref<128x128xf32, #tpu.memory_space<vmem>>, vector<1x16xf32>,
        %swap3A_602 = vector.shape_cast %swap3A_601 : vector<1x16xf32> to vector<16xf32>
        %swap3A_603 = vector.shape_cast %get3A_540 : vector<16xf32> to vector<1x16xf32>
        tpu.vector_store %arg11[%swap3A_599, %swap3A_600], %swap3A_603 {strides = array<i32>} : memref<128x128xf32, #tpu.memory_space<vmem>>, vector<1x16xf32>,
        %swap3A_604 = arith.index_cast %scan3A_589 : i32 to index
        %swap3A_605 = arith.constant 48 : index
        %swap3A_606 = tpu.vector_load %arg11[%swap3A_604, %swap3A_605] {strides = array<i32>} : memref<128x128xf32, #tpu.memory_space<vmem>>, vector<1x16xf32>,
        %swap3A_607 = vector.shape_cast %swap3A_606 : vector<1x16xf32> to vector<16xf32>
        %swap3A_608 = vector.shape_cast %get3A_544 : vector<16xf32> to vector<1x16xf32>
        tpu.vector_store %arg11[%swap3A_604, %swap3A_605], %swap3A_608 {strides = array<i32>} : memref<128x128xf32, #tpu.memory_space<vmem>>, vector<1x16xf32>,
        %swap3A_609 = arith.index_cast %scan3A_589 : i32 to index
        %swap3A_610 = arith.constant 64 : index
        %swap3A_611 = tpu.vector_load %arg11[%swap3A_609, %swap3A_610] {strides = array<i32>} : memref<128x128xf32, #tpu.memory_space<vmem>>, vector<1x16xf32>,
        %swap3A_612 = vector.shape_cast %swap3A_611 : vector<1x16xf32> to vector<16xf32>
        %swap3A_613 = vector.shape_cast %get3A_548 : vector<16xf32> to vector<1x16xf32>
        tpu.vector_store %arg11[%swap3A_609, %swap3A_610], %swap3A_613 {strides = array<i32>} : memref<128x128xf32, #tpu.memory_space<vmem>>, vector<1x16xf32>,
        %swap3A_614 = arith.index_cast %scan3A_589 : i32 to index
        %swap3A_615 = arith.constant 80 : index
        %swap3A_616 = tpu.vector_load %arg11[%swap3A_614, %swap3A_615] {strides = array<i32>} : memref<128x128xf32, #tpu.memory_space<vmem>>, vector<1x16xf32>,
        %swap3A_617 = vector.shape_cast %swap3A_616 : vector<1x16xf32> to vector<16xf32>
        %swap3A_618 = vector.shape_cast %get3A_552 : vector<16xf32> to vector<1x16xf32>
        tpu.vector_store %arg11[%swap3A_614, %swap3A_615], %swap3A_618 {strides = array<i32>} : memref<128x128xf32, #tpu.memory_space<vmem>>, vector<1x16xf32>,
        %swap3A_619 = arith.index_cast %scan3A_589 : i32 to index
        %swap3A_620 = arith.constant 96 : index
        %swap3A_621 = tpu.vector_load %arg11[%swap3A_619, %swap3A_620] {strides = array<i32>} : memref<128x128xf32, #tpu.memory_space<vmem>>, vector<1x16xf32>,
        %swap3A_622 = vector.shape_cast %swap3A_621 : vector<1x16xf32> to vector<16xf32>
        %swap3A_623 = vector.shape_cast %get3A_556 : vector<16xf32> to vector<1x16xf32>
        tpu.vector_store %arg11[%swap3A_619, %swap3A_620], %swap3A_623 {strides = array<i32>} : memref<128x128xf32, #tpu.memory_space<vmem>>, vector<1x16xf32>,
        %swap3A_624 = arith.index_cast %scan3A_589 : i32 to index
        %swap3A_625 = arith.constant 112 : index
        %swap3A_626 = tpu.vector_load %arg11[%swap3A_624, %swap3A_625] {strides = array<i32>} : memref<128x128xf32, #tpu.memory_space<vmem>>, vector<1x16xf32>,
        %swap3A_627 = vector.shape_cast %swap3A_626 : vector<1x16xf32> to vector<16xf32>
        %swap3A_628 = vector.shape_cast %get3A_560 : vector<16xf32> to vector<1x16xf32>
        tpu.vector_store %arg11[%swap3A_624, %swap3A_625], %swap3A_628 {strides = array<i32>} : memref<128x128xf32, #tpu.memory_space<vmem>>, vector<1x16xf32>,
      }
      %scan3A_566 = arith.constant 128 : i32
      %dma_start3A_567 = arith.constant 0 : i32
      %dma_start3A_568 = tpu.memref_slice %arg6[%add3A_520, %dma_start3A_567] : memref<200x128xi32, #tpu.memory_space<vmem>> -> memref<1x128xi32, #tpu.memory_space<vmem>>
      %dma_start3A_569 = tpu.memref_squeeze %dma_start3A_568 : memref<1x128xi32, #tpu.memory_space<vmem>> -> memref<128xi32, #tpu.memory_space<vmem>>
      %dma_start3A_570 = arith.constant 0 : i32
      %dma_start3A_571 = arith.constant 0 : i32
      %dma_start3A_572 = tpu.memref_slice %arg3[%dma_start3A_570, %dma_start3A_571] : memref<100000x128xf32, #tpu.memory_space<hbm>> -> memref<100000x128xf32, #tpu.memory_space<hbm>>
      tpu.enqueue_indirect_dma source(%dma_start3A_572 : memref<100000x128xf32, #tpu.memory_space<hbm>>) target(%arg11 : memref<128x128xf32, #tpu.memory_space<vmem>>) offsets(%dma_start3A_569 : memref<128xi32, #tpu.memory_space<vmem>>) semaphore(%arg15 : memref<!tpu.dma_semaphore, #tpu.memory_space<semaphore_mem>>) {add = true}
      %sub3A_573 = arith.constant 2 : i32
      %sub3A_574 = arith.subi %add3A_520, %sub3A_573 : i32
      %dma_wait3A_575 = arith.constant 0 : i32
      %dma_wait3A_576 = tpu.memref_slice %arg6[%sub3A_574, %dma_wait3A_575] : memref<200x128xi32, #tpu.memory_space<vmem>> -> memref<1x128xi32, #tpu.memory_space<vmem>>
      %dma_wait3A_577 = tpu.memref_squeeze %dma_wait3A_576 : memref<1x128xi32, #tpu.memory_space<vmem>> -> memref<128xi32, #tpu.memory_space<vmem>>
      %dma_wait3A_578 = arith.constant 0 : i32
      %dma_wait3A_579 = arith.constant 0 : i32
      %dma_wait3A_580 = tpu.memref_slice %arg3[%dma_wait3A_578, %dma_wait3A_579] : memref<100000x128xf32, #tpu.memory_space<hbm>> -> memref<100000x128xf32, #tpu.memory_space<hbm>>
      tpu.wait_indirect_dma semaphore(%arg13 : memref<!tpu.dma_semaphore, #tpu.memory_space<semaphore_mem>>) src(%dma_wait3A_580 : memref<100000x128xf32, #tpu.memory_space<hbm>>) dst(%arg9 : memref<128x128xf32, #tpu.memory_space<vmem>>)
      %sub3A_581 = arith.constant 2 : i32
      %sub3A_582 = arith.subi %add3A_520, %sub3A_581 : i32
      %dma_start3A_583 = arith.constant 0 : i32
      %dma_start3A_584 = tpu.memref_slice %arg5[%mul3A_2, %sub3A_582, %dma_start3A_583] : memref<4096x200x128xf32, #tpu.memory_space<hbm>> -> memref<128x1x128xf32, #tpu.memory_space<hbm>>
      %dma_start3A_585 = tpu.memref_squeeze %dma_start3A_584 : memref<128x1x128xf32, #tpu.memory_space<hbm>> -> memref<128x128xf32, #tpu.memory_space<hbm>>
      %dma_start3A_586 = arith.constant 0 : i32
      %dma_start3A_587 = tpu.memref_slice %arg5[%mul3A_2, %sub3A_582, %dma_start3A_586] : memref<4096x200x128xf32, #tpu.memory_space<hbm>> -> memref<128x1x128xf32, #tpu.memory_space<hbm>>
      %dma_start3A_588 = tpu.memref_squeeze %dma_start3A_587 : memref<128x1x128xf32, #tpu.memory_space<hbm>> -> memref<128x128xf32, #tpu.memory_space<hbm>>
      tpu.enqueue_dma source(%arg9 : memref<128x128xf32, #tpu.memory_space<vmem>>) target(%dma_start3A_588 : memref<128x128xf32, #tpu.memory_space<hbm>>) target_semaphore(%arg17 : memref<!tpu.dma_semaphore, #tpu.memory_space<semaphore_mem>>)
    }
    %scan3A_244 = arith.constant 49 : i32
    %dma_wait3A_245 = arith.constant 198 : i32
    %dma_wait3A_246 = arith.constant 0 : i32
    %dma_wait3A_247 = tpu.memref_slice %arg6[%dma_wait3A_245, %dma_wait3A_246] : memref<200x128xi32, #tpu.memory_space<vmem>> -> memref<1x128xi32, #tpu.memory_space<vmem>>
    %dma_wait3A_248 = tpu.memref_squeeze %dma_wait3A_247 : memref<1x128xi32, #tpu.memory_space<vmem>> -> memref<128xi32, #tpu.memory_space<vmem>>
    %dma_wait3A_249 = arith.constant 0 : i32
    %dma_wait3A_250 = arith.constant 0 : i32
    %dma_wait3A_251 = tpu.memref_slice %arg3[%dma_wait3A_249, %dma_wait3A_250] : memref<100000x128xf32, #tpu.memory_space<hbm>> -> memref<100000x128xf32, #tpu.memory_space<hbm>>
    tpu.wait_indirect_dma semaphore(%arg14 : memref<!tpu.dma_semaphore, #tpu.memory_space<semaphore_mem>>) src(%dma_wait3A_251 : memref<100000x128xf32, #tpu.memory_space<hbm>>) dst(%arg10 : memref<128x128xf32, #tpu.memory_space<vmem>>)
    %dma_start3A_252 = arith.constant 198 : i32
    %dma_start3A_253 = arith.constant 0 : i32
    %dma_start3A_254 = tpu.memref_slice %arg5[%mul3A_2, %dma_start3A_252, %dma_start3A_253] : memref<4096x200x128xf32, #tpu.memory_space<hbm>> -> memref<128x1x128xf32, #tpu.memory_space<hbm>>
    %dma_start3A_255 = tpu.memref_squeeze %dma_start3A_254 : memref<128x1x128xf32, #tpu.memory_space<hbm>> -> memref<128x128xf32, #tpu.memory_space<hbm>>
    %dma_start3A_256 = arith.constant 0 : i32
    %dma_start3A_257 = tpu.memref_slice %arg5[%mul3A_2, %dma_start3A_252, %dma_start3A_256] : memref<4096x200x128xf32, #tpu.memory_space<hbm>> -> memref<128x1x128xf32, #tpu.memory_space<hbm>>
    %dma_start3A_258 = tpu.memref_squeeze %dma_start3A_257 : memref<128x1x128xf32, #tpu.memory_space<hbm>> -> memref<128x128xf32, #tpu.memory_space<hbm>>
    tpu.enqueue_dma source(%arg10 : memref<128x128xf32, #tpu.memory_space<vmem>>) target(%dma_start3A_258 : memref<128x128xf32, #tpu.memory_space<hbm>>) target_semaphore(%arg18 : memref<!tpu.dma_semaphore, #tpu.memory_space<semaphore_mem>>)
    %dma_wait3A_259 = arith.constant 199 : i32
    %dma_wait3A_260 = arith.constant 0 : i32
    %dma_wait3A_261 = tpu.memref_slice %arg6[%dma_wait3A_259, %dma_wait3A_260] : memref<200x128xi32, #tpu.memory_space<vmem>> -> memref<1x128xi32, #tpu.memory_space<vmem>>
    %dma_wait3A_262 = tpu.memref_squeeze %dma_wait3A_261 : memref<1x128xi32, #tpu.memory_space<vmem>> -> memref<128xi32, #tpu.memory_space<vmem>>
    %dma_wait3A_263 = arith.constant 0 : i32
    %dma_wait3A_264 = arith.constant 0 : i32
    %dma_wait3A_265 = tpu.memref_slice %arg3[%dma_wait3A_263, %dma_wait3A_264] : memref<100000x128xf32, #tpu.memory_space<hbm>> -> memref<100000x128xf32, #tpu.memory_space<hbm>>
    tpu.wait_indirect_dma semaphore(%arg15 : memref<!tpu.dma_semaphore, #tpu.memory_space<semaphore_mem>>) src(%dma_wait3A_265 : memref<100000x128xf32, #tpu.memory_space<hbm>>) dst(%arg11 : memref<128x128xf32, #tpu.memory_space<vmem>>)
    %dma_start3A_266 = arith.constant 199 : i32
    %dma_start3A_267 = arith.constant 0 : i32
    %dma_start3A_268 = tpu.memref_slice %arg5[%mul3A_2, %dma_start3A_266, %dma_start3A_267] : memref<4096x200x128xf32, #tpu.memory_space<hbm>> -> memref<128x1x128xf32, #tpu.memory_space<hbm>>
    %dma_start3A_269 = tpu.memref_squeeze %dma_start3A_268 : memref<128x1x128xf32, #tpu.memory_space<hbm>> -> memref<128x128xf32, #tpu.memory_space<hbm>>
    %dma_start3A_270 = arith.constant 0 : i32
    %dma_start3A_271 = tpu.memref_slice %arg5[%mul3A_2, %dma_start3A_266, %dma_start3A_270] : memref<4096x200x128xf32, #tpu.memory_space<hbm>> -> memref<128x1x128xf32, #tpu.memory_space<hbm>>
    %dma_start3A_272 = tpu.memref_squeeze %dma_start3A_271 : memref<128x1x128xf32, #tpu.memory_space<hbm>> -> memref<128x128xf32, #tpu.memory_space<hbm>>
    tpu.enqueue_dma source(%arg11 : memref<128x128xf32, #tpu.memory_space<vmem>>) target(%dma_start3A_272 : memref<128x128xf32, #tpu.memory_space<hbm>>) target_semaphore(%arg19 : memref<!tpu.dma_semaphore, #tpu.memory_space<semaphore_mem>>)
    %dma_wait3A_273 = arith.constant 196 : i32
    %dma_wait3A_274 = arith.constant 0 : i32
    %dma_wait3A_275 = tpu.memref_slice %arg5[%mul3A_2, %dma_wait3A_273, %dma_wait3A_274] : memref<4096x200x128xf32, #tpu.memory_space<hbm>> -> memref<128x1x128xf32, #tpu.memory_space<hbm>>
    %dma_wait3A_276 = tpu.memref_squeeze %dma_wait3A_275 : memref<128x1x128xf32, #tpu.memory_space<hbm>> -> memref<128x128xf32, #tpu.memory_space<hbm>>
    %dma_wait3A_277 = arith.constant 0 : i32
    %dma_wait3A_278 = tpu.memref_slice %arg5[%mul3A_2, %dma_wait3A_273, %dma_wait3A_277] : memref<4096x200x128xf32, #tpu.memory_space<hbm>> -> memref<128x1x128xf32, #tpu.memory_space<hbm>>
    %dma_wait3A_279 = tpu.memref_squeeze %dma_wait3A_278 : memref<128x1x128xf32, #tpu.memory_space<hbm>> -> memref<128x128xf32, #tpu.memory_space<hbm>>
    tpu.wait_dma2 semaphore(%arg16 : memref<!tpu.dma_semaphore, #tpu.memory_space<semaphore_mem>>) src(%arg8 : memref<128x128xf32, #tpu.memory_space<vmem>>) dst(%dma_wait3A_279 : memref<128x128xf32, #tpu.memory_space<hbm>>)
    %dma_wait3A_280 = arith.constant 197 : i32
    %dma_wait3A_281 = arith.constant 0 : i32
    %dma_wait3A_282 = tpu.memref_slice %arg5[%mul3A_2, %dma_wait3A_280, %dma_wait3A_281] : memref<4096x200x128xf32, #tpu.memory_space<hbm>> -> memref<128x1x128xf32, #tpu.memory_space<hbm>>
    %dma_wait3A_283 = tpu.memref_squeeze %dma_wait3A_282 : memref<128x1x128xf32, #tpu.memory_space<hbm>> -> memref<128x128xf32, #tpu.memory_space<hbm>>
    %dma_wait3A_284 = arith.constant 0 : i32
    %dma_wait3A_285 = tpu.memref_slice %arg5[%mul3A_2, %dma_wait3A_280, %dma_wait3A_284] : memref<4096x200x128xf32, #tpu.memory_space<hbm>> -> memref<128x1x128xf32, #tpu.memory_space<hbm>>
    %dma_wait3A_286 = tpu.memref_squeeze %dma_wait3A_285 : memref<128x1x128xf32, #tpu.memory_space<hbm>> -> memref<128x128xf32, #tpu.memory_space<hbm>>
    tpu.wait_dma2 semaphore(%arg17 : memref<!tpu.dma_semaphore, #tpu.memory_space<semaphore_mem>>) src(%arg9 : memref<128x128xf32, #tpu.memory_space<vmem>>) dst(%dma_wait3A_286 : memref<128x128xf32, #tpu.memory_space<hbm>>)
    %dma_wait3A_287 = arith.constant 198 : i32
    %dma_wait3A_288 = arith.constant 0 : i32
    %dma_wait3A_289 = tpu.memref_slice %arg5[%mul3A_2, %dma_wait3A_287, %dma_wait3A_288] : memref<4096x200x128xf32, #tpu.memory_space<hbm>> -> memref<128x1x128xf32, #tpu.memory_space<hbm>>
    %dma_wait3A_290 = tpu.memref_squeeze %dma_wait3A_289 : memref<128x1x128xf32, #tpu.memory_space<hbm>> -> memref<128x128xf32, #tpu.memory_space<hbm>>
    %dma_wait3A_291 = arith.constant 0 : i32
    %dma_wait3A_292 = tpu.memref_slice %arg5[%mul3A_2, %dma_wait3A_287, %dma_wait3A_291] : memref<4096x200x128xf32, #tpu.memory_space<hbm>> -> memref<128x1x128xf32, #tpu.memory_space<hbm>>
    %dma_wait3A_293 = tpu.memref_squeeze %dma_wait3A_292 : memref<128x1x128xf32, #tpu.memory_space<hbm>> -> memref<128x128xf32, #tpu.memory_space<hbm>>
    tpu.wait_dma2 semaphore(%arg18 : memref<!tpu.dma_semaphore, #tpu.memory_space<semaphore_mem>>) src(%arg10 : memref<128x128xf32, #tpu.memory_space<vmem>>) dst(%dma_wait3A_293 : memref<128x128xf32, #tpu.memory_space<hbm>>)
    %dma_wait3A_294 = arith.constant 199 : i32
    %dma_wait3A_295 = arith.constant 0 : i32
    %dma_wait3A_296 = tpu.memref_slice %arg5[%mul3A_2, %dma_wait3A_294, %dma_wait3A_295] : memref<4096x200x128xf32, #tpu.memory_space<hbm>> -> memref<128x1x128xf32, #tpu.memory_space<hbm>>
    %dma_wait3A_297 = tpu.memref_squeeze %dma_wait3A_296 : memref<128x1x128xf32, #tpu.memory_space<hbm>> -> memref<128x128xf32, #tpu.memory_space<hbm>>
    %dma_wait3A_298 = arith.constant 0 : i32
    %dma_wait3A_299 = tpu.memref_slice %arg5[%mul3A_2, %dma_wait3A_294, %dma_wait3A_298] : memref<4096x200x128xf32, #tpu.memory_space<hbm>> -> memref<128x1x128xf32, #tpu.memory_space<hbm>>
    %dma_wait3A_300 = tpu.memref_squeeze %dma_wait3A_299 : memref<128x1x128xf32, #tpu.memory_space<hbm>> -> memref<128x128xf32, #tpu.memory_space<hbm>>
    tpu.wait_dma2 semaphore(%arg19 : memref<!tpu.dma_semaphore, #tpu.memory_space<semaphore_mem>>) src(%arg11 : memref<128x128xf32, #tpu.memory_space<vmem>>) dst(%dma_wait3A_300 : memref<128x128xf32, #tpu.memory_space<hbm>>)
    return
  }
}

</mosaic_0001>

<sc_bundles>
// kernel: kernel.3.cloned.1.call-start
scs
__scs_entry_jumppad:
0x0: {  	(pc) =	sbr.rel $0x88, $3  }
0x1: {  	(tag) =	ssettag $0x0;
	lr =	simm.s32 $0x1  }
0x2: {  	[smem:$0x3F9E] =	sst lr;
	_ =	strace $0xD0000000  }
0x3: {  	_ = 	snop  }
0x4: {  	_ = 	snop  }
0x5: {  	_ = 	snop  }
0x6: {  	_ = 	snop  }
0x7: {  	_ = 	snop  }
__scs_overlays_trampoline_lowered:
0x8: {  	[smem:$0x3FAD] =	sst s0  }
0x9: {  	[smem:$0x3FAE] =	sst s1  }
0xa: {  	[smem:$0x3FAF] =	sst s2  }
0xb: {  	[smem:$0x3FB0] =	sst s3  }
0xc: {  	[smem:$0x3FB1] =	sst s4  }
0xd: {  	[smem:$0x3FB2] =	sst s5  }
0xe: {  	[smem:$0x3FB3] =	sst s6  }
0xf: {  	[smem:$0x3FB4] =	sst s7  }
0x10: {  	[smem:$0x3FB5] =	sst s8  }
0x11: {  	[smem:$0x3FB6] =	sst s9;
	s0 =	simm.s32 @!p0 $0x0  }
0x12: {  	s1 =	sld [smem:$0x3F9C];
	s0 =	simm.s32 @p0 $0x1  }
0x13: {  	[smem:$0x3FB7] =	sst s0;
	s0 =	simm.s32 @!p1 $0x0  }
0x14: {  	s2 =	sld [smem:$0x3F9B];
	s0 =	simm.s32 @p1 $0x1  }
0x15: {  	[smem:$0x3FB8] =	sst s0;
	s0 =	simm.s32 @!p2 $0x0  }
0x16: {  	s3 =	sld [smem:$0x3FDB];
	s0 =	simm.s32 @p2 $0x1  }
0x17: {  	s4 =	simm.s32 $0x1BF5;
	[smem:$0x3FBA] =	sst s0  }
0x18: {  	s0 =	sld [smem:$0x3F9D];
	_ =	swait.ge [sflag:s4], $0x0  }
0x19: {  	s7 =	sld [smem:$0x3F9E]  }
0x1a: {  	s8 =	sadd.s32 $0xFFFFE003, lr  }
0x1b: {  	s9 =	sadd.s32 $0xFFFFFEF7, lr;
	s5 =	simm.s32 $0xFFFFFFFF;
	p2 =	slt.u32 s8, $0xFFFFF086  }
0x1c: {  	p1 =	slt.u32 s9, $0xF7A;
	s5 =	simm.s32 @!p2 $0x0  }
0x1d: {  	s5 =	simm.s32 @p1 $0x1;
	p0 =	seq.s32 s7, s2  }
0x1e: {  	s7 =	smul.u32 @!p0 $0xF7A, s2;
	p2 =	seq.s32 @!p0 s5, $0x0  }
0x1f: {  	s9 =	smul.u32 $0xF7A, s1;
	s8 =	simm.s32 @!p0 $0x1BF5;
	p2 =	por !p2, p0  }
0x20: {  	[sflag:s8] =	ssyncset.s32 @!p0 $0xFFFFF086;
	s6 =	sadd.s32 @!p0 s3, s7;
	s7 =	simm.s32 @!p0 $0x108  }
0x21: {  	s3 =	sadd.s32 s3, s9;
	s6 =	sadd.s32 @!p0 $0x88, s6;
	s7 =	simm.s32 @p2 $0x1082  }
0x22: {  	[simem:s7], [sflag:s8] =	dma.local @!p0 [hbm:s6], $0xF7A  }
0x23: {  	s9 =	sor.u32 $0xD0000000, s2;
	s6 =	simm.s32 $0x108;
	_ =	swait.ge @!p0 [sflag:s8], $0x0  }
0x24: {  	s3 =	sadd.s32 $0x88, s3;
	s6 =	simm.s32 @!p1 $0x1082;
	[sflag:s4] =	ssyncset.s32 $0xFFFFF086  }
0x25: {  	[simem:s6], [sflag:s4] =	dma.local [hbm:s3], $0xF7A  }
0x26: {  	[smem:$0x3F9E] =	sst s1;
	(tag) =	ssettag s2;
	_ =	strace s9  }
0x27: {  	s1 =	sld [smem:$0x3FAE]  }
0x28: {  	s2 =	sld [smem:$0x3FAF]  }
0x29: {  	s4 =	sld [smem:$0x3FB1]  }
0x2a: {  	p0 =	seq.s32 s5, $0x0;
	s5 =	sld [smem:$0x3FB2]  }
0x2b: {  	s6 =	sld [smem:$0x3FB3]  }
0x2c: {  	s7 =	sld [smem:$0x3FB4]  }
0x2d: {  	s3 =	simm.s32 $0x108;
	s8 =	sld [smem:$0x3FB5]  }
0x2e: {  	s3 =	simm.s32 @!p0 $0x1082;
	s9 =	sld [smem:$0x3FB6]  }
0x2f: {  	lr =	sadd.s32 s0, s3;
	s0 =	sld [smem:$0x3FAD]  }
0x30: {  	s3 =	sld [smem:$0x3FB0]  }
0x31: {  	[smem:$0x3FB9] =	sst s10  }
0x32: {  	s10 =	sld [smem:$0x3FB7];
	_ =	sdelay $0x3  }
0x33: {  	p0 =	seq.s32 s10, $0x1;
	s10 =	sld [smem:$0x3FB9];
	_ =	sdelay $0x3  }
0x34: {  	[smem:$0x3FB9] =	sst s10  }
0x35: {  	s10 =	sld [smem:$0x3FB8];
	_ =	sdelay $0x3  }
0x36: {  	p1 =	seq.s32 s10, $0x1;
	s10 =	sld [smem:$0x3FB9];
	_ =	sdelay $0x3  }
0x37: {  	[smem:$0x3FB9] =	sst s10  }
0x38: {  	s10 =	sld [smem:$0x3FBA]  }
0x39: {  	_ = 	snop;
	(pc) =	sbr.ind lr, $3  }
0x3a: {  	_ = 	snop  }
0x3b: {  	_ = 	snop  }
0x3c: {  	p2 =	seq.s32 s10, $0x1;
	s10 =	sld [smem:$0x3FB9]  }
0x3d: {  	_ =	shalt  }
0x3e: {  	_ =	shalt  }
0x3f: {  	_ =	shalt  }
0x40: {  	_ =	shalt  }
0x41: {  	_ =	shalt  }
0x42: {  	_ =	shalt  }
0x43: {  	_ =	shalt  }
0x44: {  	_ =	shalt  }
0x45: {  	_ =	shalt  }
0x46: {  	_ =	shalt  }
0x47: {  	_ =	shalt  }
0x48: {  	_ =	shalt  }
0x49: {  	_ =	shalt  }
0x4a: {  	_ =	shalt  }
0x4b: {  	_ =	shalt  }
0x4c: {  	_ =	shalt  }
0x4d: {  	_ =	shalt  }
0x4e: {  	_ =	shalt  }
0x4f: {  	_ =	shalt  }
0x50: {  	_ =	shalt  }
0x51: {  	_ =	shalt  }
0x52: {  	_ =	shalt  }
0x53: {  	_ =	shalt  }
0x54: {  	_ =	shalt  }
0x55: {  	_ =	shalt  }
0x56: {  	_ =	shalt  }
0x57: {  	_ =	shalt  }
0x58: {  	_ =	shalt  }
0x59: {  	_ =	shalt  }
0x5a: {  	_ =	shalt  }
0x5b: {  	_ =	shalt  }
0x5c: {  	_ =	shalt  }
0x5d: {  	_ =	shalt  }
0x5e: {  	_ =	shalt  }
0x5f: {  	_ =	shalt  }
0x60: {  	_ =	shalt  }
0x61: {  	_ =	shalt  }
0x62: {  	_ =	shalt  }
0x63: {  	_ =	shalt  }
0x64: {  	_ =	shalt  }
0x65: {  	_ =	shalt  }
0x66: {  	_ =	shalt  }
0x67: {  	_ =	shalt  }
0x68: {  	_ =	shalt  }
0x69: {  	_ =	shalt  }
0x6a: {  	_ =	shalt  }
0x6b: {  	_ =	shalt  }
0x6c: {  	_ =	shalt  }
0x6d: {  	_ =	shalt  }
0x6e: {  	_ =	shalt  }
0x6f: {  	_ =	shalt  }
0x70: {  	_ =	shalt  }
0x71: {  	_ =	shalt  }
0x72: {  	_ =	shalt  }
0x73: {  	_ =	shalt  }
0x74: {  	_ =	shalt  }
0x75: {  	_ =	shalt  }
0x76: {  	_ =	shalt  }
0x77: {  	_ =	shalt  }
0x78: {  	_ =	shalt  }
0x79: {  	_ =	shalt  }
0x7a: {  	_ =	shalt  }
0x7b: {  	_ =	shalt  }
0x7c: {  	_ =	shalt  }
0x7d: {  	_ =	shalt  }
0x7e: {  	_ =	shalt  }
0x7f: {  	_ =	shalt  }
0x80: {  	_ =	shalt  }
0x81: {  	_ =	shalt  }
0x82: {  	_ =	shalt  }
0x83: {  	_ =	shalt  }
0x84: {  	_ =	shalt  }
0x85: {  	_ =	shalt  }
0x86: {  	_ =	shalt  }
0x87: {  	_ =	shalt  }
.Lfunc_end0:
.L_simem_size_0:
called_computation_lowered:
.L_overlay_start_0:
0x88: {  	s2 =	sld [smem:$0x3FD9]  }
0x89: {  	s3 =	sld [smem:$0x3FFE];
	_ =	sdelay $0x1  }
0x8a: {  	s1 =	srdreg.scid  }
0x8b: {  	s0 =	sand.u32 $0x1, s1  }
0x8c: {  	s17 =	sshll.u32 s0, $0xA;
	s2 =	sadd.s32 s3, s2  }
0x8d: {  	s2 =	sadd.s32 s2, s17  }
0x8e: {  	[smem:$0x3FC5] =	sst s2  }
0x8f: {  	_ = 	snop  }
0x90: {  	s2 =	sld [smem:$0x3FC8]  }
0x91: {  	s18 =	sld [smem:$0x3FC7]  }
0x92: {  	s4 =	sld [smem:$0x3FD0];
	(tm) =	ssettm $0x1  }
0x93: {  	s5 =	sld [smem:$0x3FFB];
	_ =	sdelay $0x3  }
0x94: {  	_ =	strace s5  }
0x95: {  	s5 =	sld [smem:$0x3FFC];
	_ =	sdelay $0x3  }
0x96: {  	_ =	strace s5  }
0x97: {  	s5 =	sld [smem:$0x3FFD];
	_ =	sdelay $0x3  }
0x98: {  	_ =	strace s5  }
0x99: {  	_ =	strace $0x8FFFFFFF  }
0x9a: {  	s19 =	sld [smem:$0x3FDB];
	_ =	sdelay $0x1  }
0x9b: {  	s6 =	simm.s32 $_scs_section_size  }
0x9c: {  	s7 =	simm.s32 $_size__tile_overlayer_lowered;
	s8 =	simm.s32 $_tile_overlayer_lowered  }
0x9d: {  	s22 =	simm.s32 $0x1BFF;
	s21 =	sshll.u32 s8, $0x1;
	s5 =	sadd.s32 s6, s19  }
0x9e: {  	s9 =	simm.s32 $0x0;
	s20 =	sshll.u32 s7, $0x1;
	s7 =	sadd.s32 s21, s5  }
0x9f: {  	[timem:s9], [sflag:s22] =	dma.local [hbm:s7], s20  }
0xa0: {  	_ =	swait.ge [sflag:s22], s20  }
0xa1: {  	s6 =	ssub.s32 $0x0, s20;
	[sflag:s22] =	ssyncset.done $0x0  }
0xa2: {  	[sflag:s22] =	ssyncadd.s32 s6;
	_ =	sdelay $0x1  }
0xa3: {  	s23 =	simm.s32 $0x1B8B  }
0xa4: {  	_ =	swait.ge [sflag:s23], $0x1  }
0xa5: {  	[sflag:s23] =	ssyncset.done $0x0  }
0xa6: {  	s25 =	simm.s32 $0x1B8E;
	s24 =	sld [smem:$0x3FFE];
	[sflag:s23] =	ssyncadd.s32 $0xFFFFFFFF  }
0xa7: {  	s26 =	simm.s32 $execute0_lowered;
	[smem:$0x3FD2] =	sst s25  }
0xa8: {  	s7 =	sshll.u32 s26, $0x1;
	_ =	strace $0x80000046;
	[dreg:$0x1] =	wrdreg $0xFFFFFFFF  }
0xa9: {  	s28 =	simm.s32 $_size_execute0_lowered;
	s5 =	sadd.s32 s5, s7;
	[dreg:$0x0] =	wrdreg $0x0  }
0xaa: {  	s7 =	sshll.u32 s28, $0x1;
	[dreg:$0x2] =	wrdreg s5  }
0xab: {  	[dreg:$0x3] =	wrdreg s7  }
0xac: {  	[dreg:$0x4] =	wrdreg $0xC0  }
0xad: {  	_ =	task [dreg:s9], $0x5FFFF  }
0xae: {  	[dreg:$0x1] =	wrdreg $0xFFFFFFFF  }
0xaf: {  	[dreg:$0x0] =	wrdreg $0x60  }
0xb0: {  	[dreg:$0x2] =	wrdreg s24  }
0xb1: {  	[dreg:$0x3] =	wrdreg s2  }
0xb2: {  	[dreg:$0x4] =	wrdreg s18  }
0xb3: {  	[dreg:$0x5] =	wrdreg s4  }
0xb4: {  	[dreg:$0x6] =	wrdreg $0x9  }
0xb5: {  	_ =	task.clear_ibuf [dreg:s9], $0x7FFFF;
	_ =	strace $0x90000046  }
0xb6: {  	s29 =	simm.s32 $0x9;
	_ =	strace $0x80000048  }
0xb7: {  	_ =	swait.ge [sflag:s29], $0x1  }
0xb8: {  	[sflag:s29] =	ssyncadd.s32 $0xFFFFFFFF  }
0xb9: {  	_ =	strace $0x90000048  }
0xba: {  	_ =	sfence  }
0xbb: {  	s30 =	sld [smem:$0x0];
	_ =	sdelay $0x2  }
0xbc: {  	s31 =	sshll.u32 s1, $0xD;
	s1 =	sshrl.u32 s1, $0x2  }
0xbd: {  	s3 =	sand.u32 $0x4000, s31;
	s1 =	sadd.s32 s1, s30  }
0xbe: {  	s0 =	sor.u32 s3, s0;
	s1 =	sshll.u32 s1, $0x11  }
0xbf: {  	s0 =	sor.u32 s1, s0  }
0xc0: {  	s0 =	sadd.s32 $0x8F2B, s0  }
0xc1: {  	[sflag:s0] =	ssyncadd.remote.s32 $0x1  }
0xc2: {  	_ =	sfence.sel $0xFFFF  }
0xc3: {  	[dreg:$0x0] =	wrdreg $0xFFFFFFFF;
	(pc) =	sbr.abs _section_cstart, $3  }
0xc4: {  	[dreg:$0x1] =	wrdreg $0xFFFFFFFF  }
0xc5: {  	_ =	task.clear_ibuf [dreg:s9], $0x2FFFF;
	_ =	strace $0x9FFFFFFF  }
0xc6: {  	(tm) =	ssettm $0x7FFFFFFF  }
0xc7: {  	_ =	shalt  }
tec
execute0_lowered:
.L_overlay_start_1:
0x0: {  	(tag) =	ssettag $0x1  }
0x1: {  	s0 =	rddreg [dreg:$0x0]  }
0x2: {  	s1 =	rddreg [dreg:$0x1]  }
0x3: {  	s2 =	srdreg.scid;
	s3 =	stileid.u32  }
0x4: {  	s4 =	rddreg [dreg:$0x3];
	s5 =	simm.s32 $0x0;
	s13 =	simm.s32 $0x9  }
0x5: {  	s14 =	simm.s32 $0x6400;
	s15 =	simm.s32 $0x80;
	s16 =	simm.s32 $0xC800  }
0x6: {  	s17 =	simm.s32 $0x10800;
	s19 =	simm.s32 $0x14800;
	s20 =	simm.s32 $0x1  }
0x7: {  	s22 =	simm.s32 $0x18800;
	s23 =	simm.s32 $0x2;
	s24 =	simm.s32 $0x5  }
0x8: {  	s28 =	simm.s32 $0x4;
	s2 =	sand.u32 $0x1, s2;
	s3 =	sshll.u32 s3, $0x1  }
0x9: {  	s29 =	simm.s32 $0x7;
	s30 =	simm.s32 $0x8;
	s3 =	sor.u32 s2, s3  }
0xa: {  	s31 =	simm.s32 $0x0;
	s2 =	ssub.s32 $0x2, s2;
	s6 =	smul.u32 $0x320000, s3  }
0xb: {  	[smem:$0x7FF] =	sst s5;
	s3 =	smul.u32 $0xC80, s3;
	s26 =	sshrl.u32 s2, $0x1  }
0xc: {  	_ =	strace $0x80000047;
	s2 =	ssub.s32 s2, s26;
	s26 =	simm.s32 $0x6  }
0xd: {  	s25 =	sshrl.u32 s6, $0x3;
	s0 =	sadd.s32 s3, s0;
	s12 =	smax.u32 s2, $0x1  }
0xe: {  	s7 =	sadd.s32 s4, s25;
	s8 =	sadd.s32 $0x600, s0;
	s25 =	simm.s32 $0x3  }
0xf: {  	s9 =	sadd.s32 $0x10, s7;
	s10 =	sadd.s32 $0xC60, s7;
	s11 =	sadd.s32 $0xC70, s7  }
.LBB2_1:
0x10: {  	s2 =	simm.s32 $0x0  }
0x11: {  	[tilespmem:s2], [sflag:$0x9] =	stream.linear.gather [hbm4b:s8+s2], $0x6400, $0x38;
	[tilespmem:$0x1C800] =	vst v63  }
0x12: {  	_ =	swait.ge [sflag:s13], $0x6400  }
0x13: {  	[sflag:s13] =	ssyncset.done $0x0  }
0x14: {  	[sflag:s13] =	ssyncadd.s32 $0xFFFF9C00  }
0x15: {  	s0 =	rddreg [dreg:$0x2]  }
0x16: {  	[tilespmem:s14], [sflag:$0x9] =	stream.linear.gather [hbm4b:s0+s2], $0x6400, $0x38;
	[tilespmem:$0x1C800] =	vst v63  }
0x17: {  	_ =	swait.ge [sflag:s13], $0x6400  }
0x18: {  	[sflag:s13] =	ssyncset.done $0x0  }
0x19: {  	[sflag:s13] =	ssyncadd.s32 $0xFFFF9C00  }
0x1a: {  	v0 =	vld [tilespmem:$0x6400]  }
0x1b: {  	v1 =	vld [tilespmem:$0x6410]  }
0x1c: {  	v2 =	vld [tilespmem:$0x6420]  }
0x1d: {  	v7 =	vld [tilespmem:$0x6470]  }
0x1e: {  	v3 =	vld [tilespmem:$0x6430]  }
0x1f: {  	v4 =	vld [tilespmem:$0x6440]  }
0x20: {  	v5 =	vld [tilespmem:$0x6450]  }
0x21: {  	s0 =	simm.s32 $0x0;
	s2 =	simm.s32 $0x200;
	v6 =	vld [tilespmem:$0x6460]  }
.LBB2_2:
0x22: {  	p0 =	sne.s32 s2, $0xFE00;
	[tilespmem:s0+$0xC870] =	vst v7  }
0x23: {  	[tilespmem:s0+$0xC800] =	vst v0  }
0x24: {  	[tilespmem:s0+$0xC810] =	vst v1  }
.Ltmp0:
0x25: {  	[tilespmem:s0+$0xC820] =	vst v2;
	(pc) =	sbr.rel @p0 .LBB2_2-.Ltmp0, $4  }
0x26: {  	[tilespmem:s0+$0xC830] =	vst v3  }
0x27: {  	[tilespmem:s0+$0xC840] =	vst v4  }
0x28: {  	[tilespmem:s0+$0xC850] =	vst v5  }
0x29: {  	[tilespmem:s0+$0xC860] =	vst v6;
	s0 =	sshra.s32 s2, $0x2;
	s2 =	sadd.s32 $0x200, s2  }
0x2a: {  	[tilespmem:s0+$0xC870] =	vst v7  }
0x2b: {  	[tilespmem:s0+$0xC800] =	vst v0  }
0x2c: {  	[tilespmem:s0+$0xC810] =	vst v1  }
0x2d: {  	[tilespmem:s0+$0xC820] =	vst v2  }
0x2e: {  	[tilespmem:s0+$0xC830] =	vst v3  }
0x2f: {  	[tilespmem:s0+$0xC840] =	vst v4  }
0x30: {  	[tilespmem:s0+$0xC850] =	vst v5  }
0x31: {  	[tilespmem:s0+$0xC860] =	vst v6;
	s21 =	simm.s32 $0x0  }
0x32: {  	[tilespmem:s16], [sflag:$0x1] =	stream.indirect.gather.add.f32 [hbm:s1], $0x80, s21, s15, $0xb8;
	[tilespmem:$0x1C800] =	vst v63  }
0x33: {  	v0 =	vld [tilespmem:$0x6480]  }
0x34: {  	v1 =	vld [tilespmem:$0x6490]  }
0x35: {  	v2 =	vld [tilespmem:$0x64A0]  }
0x36: {  	v7 =	vld [tilespmem:$0x64F0]  }
0x37: {  	v3 =	vld [tilespmem:$0x64B0]  }
0x38: {  	v4 =	vld [tilespmem:$0x64C0]  }
0x39: {  	v5 =	vld [tilespmem:$0x64D0]  }
0x3a: {  	s0 =	simm.s32 $0x0;
	s2 =	simm.s32 $0x200;
	v6 =	vld [tilespmem:$0x64E0]  }
.LBB2_4:
0x3b: {  	p0 =	sne.s32 s2, $0xFE00;
	[tilespmem:s0+$0x10870] =	vst v7  }
0x3c: {  	[tilespmem:s0+$0x10800] =	vst v0  }
0x3d: {  	[tilespmem:s0+$0x10810] =	vst v1  }
.Ltmp1:
0x3e: {  	[tilespmem:s0+$0x10820] =	vst v2;
	(pc) =	sbr.rel @p0 .LBB2_4-.Ltmp1, $4  }
0x3f: {  	[tilespmem:s0+$0x10830] =	vst v3  }
0x40: {  	[tilespmem:s0+$0x10840] =	vst v4  }
0x41: {  	[tilespmem:s0+$0x10850] =	vst v5  }
0x42: {  	[tilespmem:s0+$0x10860] =	vst v6;
	s0 =	sshra.s32 s2, $0x2;
	s2 =	sadd.s32 $0x200, s2  }
0x43: {  	[tilespmem:s0+$0x10870] =	vst v7  }
0x44: {  	[tilespmem:s0+$0x10800] =	vst v0  }
0x45: {  	[tilespmem:s0+$0x10810] =	vst v1  }
0x46: {  	[tilespmem:s0+$0x10820] =	vst v2  }
0x47: {  	[tilespmem:s0+$0x10830] =	vst v3  }
0x48: {  	[tilespmem:s0+$0x10840] =	vst v4  }
0x49: {  	[tilespmem:s0+$0x10850] =	vst v5  }
0x4a: {  	[tilespmem:s0+$0x10860] =	vst v6  }
0x4b: {  	[tilespmem:s17], [sflag:$0x2] =	stream.indirect.gather.add.f32 [hbm:s1], $0x80, s15, s15, $0xb8;
	[tilespmem:$0x1C800] =	vst v63  }
0x4c: {  	v0 =	vld [tilespmem:$0x6500]  }
0x4d: {  	v1 =	vld [tilespmem:$0x6510]  }
0x4e: {  	v2 =	vld [tilespmem:$0x6520]  }
0x4f: {  	v7 =	vld [tilespmem:$0x6570]  }
0x50: {  	v3 =	vld [tilespmem:$0x6530]  }
0x51: {  	v4 =	vld [tilespmem:$0x6540]  }
0x52: {  	v5 =	vld [tilespmem:$0x6550]  }
0x53: {  	s0 =	simm.s32 $0x0;
	s2 =	simm.s32 $0x200;
	v6 =	vld [tilespmem:$0x6560]  }
.LBB2_6:
0x54: {  	p0 =	sne.s32 s2, $0xFE00;
	[tilespmem:s0+$0x14870] =	vst v7  }
0x55: {  	[tilespmem:s0+$0x14800] =	vst v0  }
0x56: {  	[tilespmem:s0+$0x14810] =	vst v1  }
.Ltmp2:
0x57: {  	[tilespmem:s0+$0x14820] =	vst v2;
	(pc) =	sbr.rel @p0 .LBB2_6-.Ltmp2, $4  }
0x58: {  	[tilespmem:s0+$0x14830] =	vst v3  }
0x59: {  	[tilespmem:s0+$0x14840] =	vst v4  }
0x5a: {  	[tilespmem:s0+$0x14850] =	vst v5  }
0x5b: {  	[tilespmem:s0+$0x14860] =	vst v6;
	s0 =	sshra.s32 s2, $0x2;
	s2 =	sadd.s32 $0x200, s2  }
0x5c: {  	[tilespmem:s0+$0x14870] =	vst v7  }
0x5d: {  	[tilespmem:s0+$0x14800] =	vst v0  }
0x5e: {  	[tilespmem:s0+$0x14810] =	vst v1  }
0x5f: {  	[tilespmem:s0+$0x14820] =	vst v2  }
0x60: {  	[tilespmem:s0+$0x14830] =	vst v3  }
0x61: {  	[tilespmem:s0+$0x14840] =	vst v4  }
0x62: {  	[tilespmem:s0+$0x14850] =	vst v5  }
0x63: {  	[tilespmem:s0+$0x14860] =	vst v6;
	s21 =	simm.s32 $0x100  }
0x64: {  	[tilespmem:s19], [sflag:$0x3] =	stream.indirect.gather.add.f32 [hbm:s1], $0x80, s21, s15, $0xb8;
	[tilespmem:$0x1C800] =	vst v63  }
0x65: {  	_ =	swait.ge [sflag:s20], $0x4000  }
0x66: {  	[sflag:s20] =	ssyncset.done $0x0  }
0x67: {  	[sflag:s20] =	ssyncadd.s32 $0xFFFFC000  }
0x68: {  	[hbm4b:s7+s15] =	stream.strided.scatter [tilespmem:s16], [sflag:$0x5], $0x4000, s14, s15, $0x38;
	[tilespmem:$0x1C800] =	vst v63  }
0x69: {  	v0 =	vld [tilespmem:$0x6580]  }
0x6a: {  	v1 =	vld [tilespmem:$0x6590]  }
0x6b: {  	v2 =	vld [tilespmem:$0x65A0]  }
0x6c: {  	v7 =	vld [tilespmem:$0x65F0]  }
0x6d: {  	v3 =	vld [tilespmem:$0x65B0]  }
0x6e: {  	v4 =	vld [tilespmem:$0x65C0]  }
0x6f: {  	v5 =	vld [tilespmem:$0x65D0]  }
0x70: {  	s0 =	simm.s32 $0x0;
	s2 =	simm.s32 $0x200;
	v6 =	vld [tilespmem:$0x65E0]  }
.LBB2_8:
0x71: {  	p0 =	sne.s32 s2, $0xFE00;
	[tilespmem:s0+$0x18870] =	vst v7  }
0x72: {  	[tilespmem:s0+$0x18800] =	vst v0  }
0x73: {  	[tilespmem:s0+$0x18810] =	vst v1  }
.Ltmp3:
0x74: {  	[tilespmem:s0+$0x18820] =	vst v2;
	(pc) =	sbr.rel @p0 .LBB2_8-.Ltmp3, $4  }
0x75: {  	[tilespmem:s0+$0x18830] =	vst v3  }
0x76: {  	[tilespmem:s0+$0x18840] =	vst v4  }
0x77: {  	[tilespmem:s0+$0x18850] =	vst v5  }
0x78: {  	[tilespmem:s0+$0x18860] =	vst v6;
	s0 =	sshra.s32 s2, $0x2;
	s2 =	sadd.s32 $0x200, s2  }
0x79: {  	[tilespmem:s0+$0x18870] =	vst v7  }
0x7a: {  	[tilespmem:s0+$0x18800] =	vst v0  }
0x7b: {  	[tilespmem:s0+$0x18810] =	vst v1  }
0x7c: {  	[tilespmem:s0+$0x18820] =	vst v2  }
0x7d: {  	[tilespmem:s0+$0x18830] =	vst v3  }
0x7e: {  	[tilespmem:s0+$0x18840] =	vst v4  }
0x7f: {  	[tilespmem:s0+$0x18850] =	vst v5  }
0x80: {  	[tilespmem:s0+$0x18860] =	vst v6;
	s21 =	simm.s32 $0x180  }
0x81: {  	[tilespmem:s22], [sflag:$0x4] =	stream.indirect.gather.add.f32 [hbm:s1], $0x80, s21, s15, $0xb8;
	[tilespmem:$0x1C800] =	vst v63  }
0x82: {  	_ =	swait.ge [sflag:s23], $0x4000  }
0x83: {  	[sflag:s23] =	ssyncset.done $0x0  }
0x84: {  	s2 =	simm.s32 $0x1;
	[sflag:s23] =	ssyncadd.s32 $0xFFFFC000  }
0x85: {  	[hbm4b:s9+s15] =	stream.strided.scatter [tilespmem:s17], [sflag:$0x6], $0x4000, s14, s15, $0x38;
	[tilespmem:$0x1C800] =	vst v63  }
.LBB2_10:
0x86: {  	_ =	swait.ge [sflag:s24], $0x4000  }
0x87: {  	[sflag:s24] =	ssyncset.done $0x0  }
0x88: {  	s0 =	sshll.u32 s2, $0x9;
	[sflag:s24] =	ssyncadd.s32 $0xFFFFC000  }
0x89: {  	v0 =	vld [tilespmem:s0+$0x6400]  }
0x8a: {  	v1 =	vld [tilespmem:s0+$0x6410]  }
0x8b: {  	v2 =	vld [tilespmem:s0+$0x6420]  }
0x8c: {  	v7 =	vld [tilespmem:s0+$0x6470]  }
0x8d: {  	v3 =	vld [tilespmem:s0+$0x6430]  }
0x8e: {  	v4 =	vld [tilespmem:s0+$0x6440]  }
0x8f: {  	v5 =	vld [tilespmem:s0+$0x6450]  }
0x90: {  	s3 =	simm.s32 $0x0;
	s18 =	simm.s32 $0x200;
	v6 =	vld [tilespmem:s0+$0x6460]  }
.LBB2_11:
0x91: {  	p0 =	sne.s32 s18, $0xFE00;
	[tilespmem:s3+$0xC870] =	vst v7  }
0x92: {  	[tilespmem:s3+$0xC800] =	vst v0  }
0x93: {  	[tilespmem:s3+$0xC810] =	vst v1  }
.Ltmp4:
0x94: {  	[tilespmem:s3+$0xC820] =	vst v2;
	(pc) =	sbr.rel @p0 .LBB2_11-.Ltmp4, $4  }
0x95: {  	[tilespmem:s3+$0xC830] =	vst v3  }
0x96: {  	[tilespmem:s3+$0xC840] =	vst v4  }
0x97: {  	[tilespmem:s3+$0xC850] =	vst v5  }
0x98: {  	[tilespmem:s3+$0xC860] =	vst v6;
	s3 =	sshra.s32 s18, $0x2;
	s18 =	sadd.s32 $0x200, s18  }
0x99: {  	[tilespmem:s3+$0xC870] =	vst v7  }
0x9a: {  	[tilespmem:s3+$0xC800] =	vst v0  }
0x9b: {  	[tilespmem:s3+$0xC810] =	vst v1  }
0x9c: {  	[tilespmem:s3+$0xC820] =	vst v2  }
0x9d: {  	[tilespmem:s3+$0xC830] =	vst v3  }
0x9e: {  	[tilespmem:s3+$0xC840] =	vst v4  }
0x9f: {  	[tilespmem:s3+$0xC850] =	vst v5  }
0xa0: {  	[tilespmem:s3+$0xC860] =	vst v6;
	s21 =	sadd.s32 $0xFFFFFF00, s0  }
0xa1: {  	[tilespmem:s16], [sflag:$0x1] =	stream.indirect.gather.add.f32 [hbm:s1], $0x80, s0, s15, $0xb8;
	[tilespmem:$0x1C800] =	vst v63  }
0xa2: {  	s5 =	sand.u32 $0xFFFFFC00, s21  }
0xa3: {  	s3 =	sand.u32 $0x300, s21;
	s5 =	sadd.s32 s6, s5  }
0xa4: {  	_ =	swait.ge [sflag:s25], $0x4000;
	s3 =	sor.u32 s3, s5  }
0xa5: {  	[sflag:s25] =	ssyncset.done $0x0;
	s3 =	sshrl.u32 s3, $0x3  }
0xa6: {  	[sflag:s25] =	ssyncadd.s32 $0xFFFFC000;
	s3 =	sadd.s32 s4, s3  }
0xa7: {  	[hbm4b:s3+s15] =	stream.strided.scatter [tilespmem:s19], [sflag:$0x7], $0x4000, s14, s15, $0x38;
	[tilespmem:$0x1C800] =	vst v63  }
0xa8: {  	_ =	swait.ge [sflag:s26], $0x4000  }
0xa9: {  	[sflag:s26] =	ssyncset.done $0x0  }
0xaa: {  	[sflag:s26] =	ssyncadd.s32 $0xFFFFC000  }
0xab: {  	v0 =	vld [tilespmem:s0+$0x6480]  }
0xac: {  	v1 =	vld [tilespmem:s0+$0x6490]  }
0xad: {  	v2 =	vld [tilespmem:s0+$0x64A0]  }
0xae: {  	v7 =	vld [tilespmem:s0+$0x64F0]  }
0xaf: {  	v3 =	vld [tilespmem:s0+$0x64B0]  }
0xb0: {  	v4 =	vld [tilespmem:s0+$0x64C0]  }
0xb1: {  	v5 =	vld [tilespmem:s0+$0x64D0]  }
0xb2: {  	s18 =	simm.s32 $0x0;
	s21 =	simm.s32 $0x200;
	s3 =	sor.u32 $0x80, s0;
	v6 =	vld [tilespmem:s0+$0x64E0]  }
.LBB2_13:
0xb3: {  	p0 =	sne.s32 s21, $0xFE00;
	[tilespmem:s18+$0x10870] =	vst v7  }
0xb4: {  	[tilespmem:s18+$0x10800] =	vst v0  }
0xb5: {  	[tilespmem:s18+$0x10810] =	vst v1  }
.Ltmp5:
0xb6: {  	[tilespmem:s18+$0x10820] =	vst v2;
	(pc) =	sbr.rel @p0 .LBB2_13-.Ltmp5, $4  }
0xb7: {  	[tilespmem:s18+$0x10830] =	vst v3  }
0xb8: {  	[tilespmem:s18+$0x10840] =	vst v4  }
0xb9: {  	[tilespmem:s18+$0x10850] =	vst v5  }
0xba: {  	[tilespmem:s18+$0x10860] =	vst v6;
	s18 =	sshra.s32 s21, $0x2;
	s21 =	sadd.s32 $0x200, s21  }
0xbb: {  	[tilespmem:s18+$0x10870] =	vst v7  }
0xbc: {  	[tilespmem:s18+$0x10800] =	vst v0  }
0xbd: {  	[tilespmem:s18+$0x10810] =	vst v1  }
0xbe: {  	[tilespmem:s18+$0x10820] =	vst v2  }
0xbf: {  	[tilespmem:s18+$0x10830] =	vst v3  }
0xc0: {  	[tilespmem:s18+$0x10840] =	vst v4  }
0xc1: {  	[tilespmem:s18+$0x10850] =	vst v5  }
0xc2: {  	[tilespmem:s18+$0x10860] =	vst v6;
	s5 =	sadd.s32 $0xFFFFFF80, s0  }
0xc3: {  	[tilespmem:s17], [sflag:$0x2] =	stream.indirect.gather.add.f32 [hbm:s1], $0x80, s3, s15, $0xb8;
	[tilespmem:$0x1C800] =	vst v63  }
0xc4: {  	s21 =	sand.u32 $0xFFFFFC00, s5  }
0xc5: {  	s5 =	sand.u32 $0x380, s5;
	s18 =	sadd.s32 s6, s21  }
0xc6: {  	_ =	swait.ge [sflag:s28], $0x4000;
	s5 =	sor.u32 s5, s18  }
0xc7: {  	[sflag:s28] =	ssyncset.done $0x0;
	s5 =	sshrl.u32 s5, $0x3  }
0xc8: {  	[sflag:s28] =	ssyncadd.s32 $0xFFFFC000;
	s5 =	sadd.s32 s4, s5  }
0xc9: {  	[hbm4b:s5+s15] =	stream.strided.scatter [tilespmem:s22], [sflag:$0x8], $0x4000, s14, s15, $0x38;
	[tilespmem:$0x1C800] =	vst v63  }
0xca: {  	_ =	swait.ge [sflag:s29], $0x4000  }
0xcb: {  	[sflag:s29] =	ssyncset.done $0x0  }
0xcc: {  	[sflag:s29] =	ssyncadd.s32 $0xFFFFC000  }
0xcd: {  	v0 =	vld [tilespmem:s0+$0x6500]  }
0xce: {  	v1 =	vld [tilespmem:s0+$0x6510]  }
0xcf: {  	v2 =	vld [tilespmem:s0+$0x6520]  }
0xd0: {  	v7 =	vld [tilespmem:s0+$0x6570]  }
0xd1: {  	v3 =	vld [tilespmem:s0+$0x6530]  }
0xd2: {  	v4 =	vld [tilespmem:s0+$0x6540]  }
0xd3: {  	v5 =	vld [tilespmem:s0+$0x6550]  }
0xd4: {  	s21 =	simm.s32 $0x0;
	s18 =	sor.u32 $0x100, s0;
	s5 =	simm.s32 $0x200;
	v6 =	vld [tilespmem:s0+$0x6560]  }
.LBB2_15:
0xd5: {  	p0 =	sne.s32 s5, $0xFE00;
	[tilespmem:s21+$0x14870] =	vst v7  }
0xd6: {  	[tilespmem:s21+$0x14800] =	vst v0  }
0xd7: {  	[tilespmem:s21+$0x14810] =	vst v1  }
.Ltmp6:
0xd8: {  	[tilespmem:s21+$0x14820] =	vst v2;
	(pc) =	sbr.rel @p0 .LBB2_15-.Ltmp6, $4  }
0xd9: {  	[tilespmem:s21+$0x14830] =	vst v3  }
0xda: {  	[tilespmem:s21+$0x14840] =	vst v4  }
0xdb: {  	[tilespmem:s21+$0x14850] =	vst v5  }
0xdc: {  	[tilespmem:s21+$0x14860] =	vst v6;
	s21 =	sshra.s32 s5, $0x2;
	s5 =	sadd.s32 $0x200, s5  }
0xdd: {  	[tilespmem:s21+$0x14870] =	vst v7  }
0xde: {  	[tilespmem:s21+$0x14800] =	vst v0  }
0xdf: {  	[tilespmem:s21+$0x14810] =	vst v1  }
0xe0: {  	[tilespmem:s21+$0x14820] =	vst v2  }
0xe1: {  	[tilespmem:s21+$0x14830] =	vst v3  }
0xe2: {  	[tilespmem:s21+$0x14840] =	vst v4  }
0xe3: {  	[tilespmem:s21+$0x14850] =	vst v5  }
0xe4: {  	[tilespmem:s21+$0x14860] =	vst v6  }
0xe5: {  	[tilespmem:s19], [sflag:$0x3] =	stream.indirect.gather.add.f32 [hbm:s1], $0x80, s18, s15, $0xb8;
	[tilespmem:$0x1C800] =	vst v63  }
0xe6: {  	s5 =	sor.u32 s6, s0;
	_ =	swait.ge [sflag:s20], $0x4000  }
0xe7: {  	s5 =	sshrl.u32 s5, $0x3;
	[sflag:s20] =	ssyncset.done $0x0  }
0xe8: {  	s5 =	sadd.s32 s4, s5;
	[sflag:s20] =	ssyncadd.s32 $0xFFFFC000  }
0xe9: {  	[hbm4b:s5+s15] =	stream.strided.scatter [tilespmem:s16], [sflag:$0x5], $0x4000, s14, s15, $0x38;
	[tilespmem:$0x1C800] =	vst v63  }
0xea: {  	_ =	swait.ge [sflag:s30], $0x4000  }
0xeb: {  	[sflag:s30] =	ssyncset.done $0x0  }
0xec: {  	[sflag:s30] =	ssyncadd.s32 $0xFFFFC000  }
0xed: {  	v0 =	vld [tilespmem:s0+$0x6580]  }
0xee: {  	v1 =	vld [tilespmem:s0+$0x6590]  }
0xef: {  	v2 =	vld [tilespmem:s0+$0x65A0]  }
0xf0: {  	v7 =	vld [tilespmem:s0+$0x65F0]  }
0xf1: {  	v3 =	vld [tilespmem:s0+$0x65B0]  }
0xf2: {  	v4 =	vld [tilespmem:s0+$0x65C0]  }
0xf3: {  	v5 =	vld [tilespmem:s0+$0x65D0]  }
0xf4: {  	s18 =	sor.u32 $0x180, s0;
	s5 =	simm.s32 $0x200;
	v6 =	vld [tilespmem:s0+$0x65E0];
	s0 =	simm.s32 $0x0  }
.LBB2_17:
0xf5: {  	p0 =	sne.s32 s5, $0xFE00;
	[tilespmem:s0+$0x18870] =	vst v7  }
0xf6: {  	[tilespmem:s0+$0x18800] =	vst v0  }
0xf7: {  	[tilespmem:s0+$0x18810] =	vst v1  }
.Ltmp7:
0xf8: {  	[tilespmem:s0+$0x18820] =	vst v2;
	(pc) =	sbr.rel @p0 .LBB2_17-.Ltmp7, $4  }
0xf9: {  	[tilespmem:s0+$0x18830] =	vst v3  }
0xfa: {  	[tilespmem:s0+$0x18840] =	vst v4  }
0xfb: {  	[tilespmem:s0+$0x18850] =	vst v5  }
0xfc: {  	[tilespmem:s0+$0x18860] =	vst v6;
	s0 =	sshra.s32 s5, $0x2;
	s5 =	sadd.s32 $0x200, s5  }
0xfd: {  	[tilespmem:s0+$0x18870] =	vst v7  }
0xfe: {  	[tilespmem:s0+$0x18800] =	vst v0  }
0xff: {  	[tilespmem:s0+$0x18810] =	vst v1  }
0x100: {  	[tilespmem:s0+$0x18820] =	vst v2  }
0x101: {  	[tilespmem:s0+$0x18830] =	vst v3  }
0x102: {  	[tilespmem:s0+$0x18840] =	vst v4  }
0x103: {  	[tilespmem:s0+$0x18850] =	vst v5  }
0x104: {  	[tilespmem:s0+$0x18860] =	vst v6;
	s2 =	sadd.s32 $0x1, s2  }
0x105: {  	[tilespmem:s22], [sflag:$0x4] =	stream.indirect.gather.add.f32 [hbm:s1], $0x80, s18, s15, $0xb8;
	[tilespmem:$0x1C800] =	vst v63  }
0x106: {  	p0 =	sne.s32 s2, $0x32  }
.Ltmp8:
0x107: {  	s21 =	sand.u32 $0x7E80, s3;
	(pc) =	sbr.rel @p0 .LBB2_10-.Ltmp8, $4  }
0x108: {  	s0 =	sor.u32 s6, s21;
	_ =	swait.ge [sflag:s23], $0x4000  }
0x109: {  	s0 =	sshrl.u32 s0, $0x3;
	[sflag:s23] =	ssyncset.done $0x0  }
0x10a: {  	s0 =	sadd.s32 s4, s0;
	[sflag:s23] =	ssyncadd.s32 $0xFFFFC000  }
0x10b: {  	[hbm4b:s0+s15] =	stream.strided.scatter [tilespmem:s17], [sflag:$0x6], $0x4000, s14, s15, $0x38;
	[tilespmem:$0x1C800] =	vst v63  }
0x10c: {  	_ =	swait.ge [sflag:s25], $0x4000  }
0x10d: {  	[sflag:s25] =	ssyncset.done $0x0  }
0x10e: {  	[sflag:s25] =	ssyncadd.s32 $0xFFFFC000  }
0x10f: {  	[hbm4b:s10+s15] =	stream.strided.scatter [tilespmem:s19], [sflag:$0x7], $0x4000, s14, s15, $0x38;
	[tilespmem:$0x1C800] =	vst v63  }
0x110: {  	_ =	swait.ge [sflag:s28], $0x4000  }
0x111: {  	[sflag:s28] =	ssyncset.done $0x0  }
0x112: {  	[sflag:s28] =	ssyncadd.s32 $0xFFFFC000  }
0x113: {  	[hbm4b:s11+s15] =	stream.strided.scatter [tilespmem:s22], [sflag:$0x8], $0x4000, s14, s15, $0x38;
	[tilespmem:$0x1C800] =	vst v63  }
0x114: {  	_ =	swait.ge [sflag:s24], $0x4000  }
0x115: {  	[sflag:s24] =	ssyncset.done $0x0  }
0x116: {  	[sflag:s24] =	ssyncadd.s32 $0xFFFFC000  }
0x117: {  	_ =	swait.ge [sflag:s26], $0x4000  }
0x118: {  	[sflag:s26] =	ssyncset.done $0x0  }
0x119: {  	s31 =	sadd.s32 $0x1, s31;
	[sflag:s26] =	ssyncadd.s32 $0xFFFFC000  }
0x11a: {  	p0 =	sne.s32 s31, s12;
	_ =	swait.ge [sflag:s29], $0x4000  }
.Ltmp9:
0x11b: {  	[sflag:s29] =	ssyncset.done $0x0;
	(pc) =	sbr.rel @p0 .LBB2_1-.Ltmp9, $4  }
0x11c: {  	[sflag:s29] =	ssyncadd.s32 $0xFFFFC000  }
0x11d: {  	_ =	swait.ge [sflag:s30], $0x4000  }
0x11e: {  	[sflag:s30] =	ssyncset.done $0x0  }
0x11f: {  	[sflag:s30] =	ssyncadd.s32 $0xFFFFC000  }
0x120: {  	_ =	sfence.sel $0x180000  }
0x121: {  	[bflag:$0x0] =	sbarrier.arrive $0xFFFF  }
0x122: {  	_ =	strace $0x90000047  }
0x123: {  	s0 =	stileid.u32;
	[bflag:$0x2] =	sbarrier.arrive $0xFFFF  }
0x124: {  	p0 =	sne.s32 s0, $0x0;
	s0 =	rddreg [dreg:$0x4]  }
0x125: {  	s0 =	sadd.s32 @!p0 $0x100000, s0  }
0x126: {  	[sflag:s0] =	ssyncadd.tile.s32 @!p0 $0x1;
	_ =	shalt  }
.Lfunc_end2:
_tile_overlayer_lowered:
.L_overlay_start_2:
0x127: {  	(tag) =	ssettag $0x2  }
0x128: {  	s0 =	rddreg [dreg:$0x0];
	s2 =	stileid.u32  }
0x129: {  	s1 =	rddreg [dreg:$0x1];
	p0 =	sne.s32 s2, $0x0  }
0x12a: {  	s3 =	rddreg [dreg:$0x2];
	[bflag:$0x3] =	sbarrier.arrive $0xFFFF;
	s2 =	simm.s32 @!p0 $0x1C09  }
0x12b: {  	[timem:s3], [sflag:s2] =	dma.local @!p0 [hbm:s0], s1  }
0x12c: {  	s0 =	simm.s32 @!p0 $0x9  }
0x12d: {  	_ =	swait.ge @!p0 [sflag:s0], s1  }
0x12e: {  	s1 =	ssub.s32 @!p0 $0x0, s1;
	[sflag:s0] =	ssyncset.done @!p0 $0x0  }
0x12f: {  	[sflag:s0] =	ssyncadd.s32 @!p0 s1  }
0x130: {  	[bflag:$0x3] =	sbarrier.arrive $0xFFFF  }
0x131: {  	_ =	shalt  }

</sc_bundles>
